<compile_context>
chip_gen: v7x
topology: tpu7x:2x2x1
jax: 0.10.2.dev20260603
libtpu: 0.0.44.dev20260713+nightly
codegen_flags: <defaults>
</compile_context>

<pallas_src>
import functools

import jax
import jax.numpy as jnp
from jax import lax
from jax.experimental import pallas as pl
from jax.experimental.pallas import tpu as pltpu, tpu_sc as plsc

_CG = 8
_IG = 4
_CW = 16384 // _CG
_NX = 2
_NO = 2
_ISC = 80
_IPW = _ISC // _IG


def _sc_xi_body(x_hbm, w_hbm, out_hbm, xbuf, wbuf, obuf, xsems, wsems, osems):
    P = 16
    wid = lax.axis_index("s") * 2 + lax.axis_index("c")
    colg = lax.rem(wid, _CG)
    itemg = wid // _CG
    base = pl.multiple_of(colg * _CW, _CW)
    i0 = itemg * _IPW

    def xsrc(k):
        r = pl.multiple_of((i0 + k) * P, P)
        return x_hbm.at[pl.ds(r, P), pl.ds(base, _CW)]

    def wsrc(k):
        r = pl.multiple_of((i0 + k) * P, P)
        return w_hbm.at[pl.ds(r, P), :]

    for c0 in range(_NX - 1):
        pltpu.async_copy(xsrc(c0), xbuf.at[c0], xsems.at[c0])
        pltpu.async_copy(wsrc(c0), wbuf.at[c0], wsems.at[c0])

    def body(c, carry):
        sx = lax.rem(c, _NX)
        so = lax.rem(c, _NO)
        nc = c + _NX - 1

        @pl.when(nc < _IPW)
        def _():
            sn = lax.rem(nc, _NX)
            pltpu.async_copy(xsrc(nc), xbuf.at[sn], xsems.at[sn])
            pltpu.async_copy(wsrc(nc), wbuf.at[sn], wsems.at[sn])

        pltpu.make_async_copy(xsrc(c), xbuf.at[sx], xsems.at[sx]).wait()
        pltpu.make_async_copy(wsrc(c), wbuf.at[sx], wsems.at[sx]).wait()

        @pl.when(c >= _NO)
        def _():
            pltpu.make_async_copy(
                obuf.at[so], out_hbm.at[i0 + c - _NO, pl.ds(base, _CW)],
                osems.at[so],
            ).wait()

        ws = [wbuf[sx, p, :] for p in range(P)]

        def kbody(k, carry2):
            for u in range(2):
                off = pl.multiple_of(k * 32 + u * 16, 16)
                t = [ws[p] * xbuf[sx, p, pl.ds(off, 16)] for p in range(P)]
                while len(t) > 1:
                    t = [t[2 * j] + t[2 * j + 1] for j in range(len(t) // 2)]
                obuf[so, pl.ds(off, 16)] = t[0]
            return carry2

        lax.fori_loop(0, _CW // 32, kbody, 0)
        pltpu.async_copy(
            obuf.at[so], out_hbm.at[i0 + c, pl.ds(base, _CW)], osems.at[so]
        )
        return carry

    lax.fori_loop(0, _IPW, body, 0)
    for t in range(_NO):
        c = _IPW - _NO + t
        pltpu.make_async_copy(
            obuf.at[c % _NO], out_hbm.at[i0 + c, pl.ds(base, _CW)],
            osems.at[c % _NO],
        ).wait()


def _body_xu(uh_ref, xu_ref, xit_ref, cut_ref, cie_ref, st_ref, stt_ref, t1_ref):
    I, P, Bn = xu_ref.shape
    It = xit_ref.shape[0]
    cu = jnp.dot(cut_ref[...], uh_ref[...], preferred_element_type=jnp.float32)
    yu = xu_ref[...] * cu[None, :, :]
    yi = xit_ref[...] * cie_ref[...]
    t1 = jnp.dot(st_ref[...], yu.reshape(I * P, Bn),
                 preferred_element_type=jnp.float32)
    t1_ref[...] = t1 + jnp.dot(stt_ref[...], yi.reshape(It * P, Bn),
                               preferred_element_type=jnp.float32)


def _body_combine(t1_ref, pi_ref, av_ref, out_ref):
    I, Bc = t1_ref.shape
    row = lax.broadcasted_iota(jnp.int32, (I, Bc), 0)
    full = t1_ref[...] + jnp.where(row < _ISC, pi_ref[...], jnp.float32(0))
    out_ref[...] = jnp.where(av_ref[...] != 0, full, jnp.float32(-1e20))


def kernel(x_u, x_i, availability, user_onehot, coef_u, coef_i):
    B, I, P = x_u.shape
    U = coef_u.shape[0]
    IP = I * P
    It = I - _ISC

    xu_t = jnp.transpose(x_u, (1, 2, 0))
    xi_t = jnp.transpose(x_i, (1, 2, 0))
    uh_t = jnp.transpose(user_onehot, (1, 2, 0)).reshape(U, B)
    av_t = availability.T.astype(jnp.int8)
    cu_t = coef_u.T
    ci_b = jnp.broadcast_to(coef_i.reshape(IP, 1), (IP, 16))
    cie_tail = coef_i[_ISC:, :, None]
    jj = jnp.arange(IP, dtype=jnp.int32)
    ii = jnp.arange(I, dtype=jnp.int32)
    s_t = (jj[None, :] // P == ii[:, None]).astype(jnp.float32)
    jt = jnp.arange(It * P, dtype=jnp.int32)
    st_t = (_ISC + jt[None, :] // P == ii[:, None]).astype(jnp.float32)

    xi_flat = xi_t.reshape(IP, B)
    mesh = plsc.VectorSubcoreMesh(core_axis_name="c", subcore_axis_name="s")
    sc_xi = functools.partial(
        pl.kernel,
        out_type=jax.ShapeDtypeStruct((I, B), jnp.float32),
        mesh=mesh,
        scratch_types=[
            pltpu.VMEM((_NX, P, _CW), jnp.float32),
            pltpu.VMEM((_NX, P, 16), jnp.float32),
            pltpu.VMEM((_NO, _CW), jnp.float32),
            pltpu.SemaphoreType.DMA((_NX,)),
            pltpu.SemaphoreType.DMA((_NX,)),
            pltpu.SemaphoreType.DMA((_NO,)),
        ],
    )(_sc_xi_body)
    partial = sc_xi(xi_flat, ci_b)

    Bn = 512
    t1 = pl.pallas_call(
        _body_xu,
        grid=(B // Bn,),
        in_specs=[
            pl.BlockSpec((U, Bn), lambda i: (0, i)),
            pl.BlockSpec((I, P, Bn), lambda i: (0, 0, i)),
            pl.BlockSpec((It, P, Bn), lambda i: (_ISC // (100 - _ISC), 0, i)),
            pl.BlockSpec((P, U), lambda i: (0, 0)),
            pl.BlockSpec((It, P, 1), lambda i: (0, 0, 0)),
            pl.BlockSpec((I, IP), lambda i: (0, 0)),
            pl.BlockSpec((I, It * P), lambda i: (0, 0)),
        ],
        out_specs=pl.BlockSpec((I, Bn), lambda i: (0, i)),
        out_shape=jax.ShapeDtypeStruct((I, B), jnp.float32),
    )(uh_t, xu_t, xi_t, cu_t, cie_tail, s_t, st_t)

    Bc = 2048
    out_t = pl.pallas_call(
        _body_combine,
        grid=(B // Bc,),
        in_specs=[
            pl.BlockSpec((I, Bc), lambda i: (0, i)),
            pl.BlockSpec((I, Bc), lambda i: (0, i)),
            pl.BlockSpec((I, Bc), lambda i: (0, i)),
        ],
        out_specs=pl.BlockSpec((I, Bc), lambda i: (0, i)),
        out_shape=jax.ShapeDtypeStruct((I, B), jnp.float32),
    )(t1, partial, av_t)
    return out_t.T

# --- scband reference (transcript-rebuilt; emitter-appended) ---
"""Pipeline reference for scband-conditional-logit-model-67456756351591 (READ-ONLY COPY).

The authoritative reference and input builder live on the scoring server;
editing this copy changes nothing except your own understanding.
"""

import jax, jax.numpy as jnp
import numpy as np

B = 16384
NUM_ITEMS = 100
NUM_USERS = 1000
P = 16


def setup_inputs(seed: int = 0) -> dict:
    key = jax.random.key(seed)
    k1, k2, k3, k4, k5 = jax.random.split(key, 5)
    x_u = jax.random.normal(k1, (B, NUM_ITEMS, P), dtype=jnp.float32)
    x_i = jax.random.normal(k2, (B, NUM_ITEMS, P), dtype=jnp.float32)
    # user_onehot is a true one-hot matrix (each trip belongs to exactly one user),
    # so the user-coefficient matmul is effectively an embedding lookup.
    user_idx = jax.random.randint(k3, (B,), 0, NUM_USERS)
    user_onehot = jax.nn.one_hot(user_idx, NUM_USERS, dtype=jnp.float32).reshape(B, 1, NUM_USERS)
    availability = jnp.ones((B, NUM_ITEMS), dtype=bool)
    # learned parameters per init_kwargs:
    coef_u = jax.random.normal(k4, (NUM_USERS, P), dtype=jnp.float32)  # 'u' var, 'user' variation
    coef_i = jax.random.normal(k5, (NUM_ITEMS, P), dtype=jnp.float32)  # 'i' var, 'item' variation
    return {
        "x_u": x_u,
        "x_i": x_i,
        "availability": availability,
        "user_onehot": user_onehot,
        "coef_u": coef_u,
        "coef_i": coef_i,
    }


def reference(x_u, x_i, availability, user_onehot, coef_u, coef_i):
    Bt, I, F = x_u.shape
    total_utility = jnp.zeros((Bt, I), dtype=jnp.float32)
    # 'u' variable with 'user' variation: coef_user = user_onehot @ coef_u  -> [B, 1, P]
    coef_user = jnp.matmul(user_onehot, coef_u)
    coef_user = jnp.broadcast_to(coef_user, (Bt, I, F))
    total_utility = total_utility + jnp.sum(coef_user * x_u, axis=-1)
    # 'i' variable with 'item' variation: coef_i expanded over batch -> [B, I, P]
    coef_item = jnp.broadcast_to(coef_i[None, :, :], (Bt, I, F))
    total_utility = total_utility + jnp.sum(coef_item * x_i, axis=-1)
    # mask unavailable items: total_utility[~availability] = -1e20
    total_utility = jnp.where(availability, total_utility, jnp.float32(-1e20))
    return total_utility

if __name__ == "__main__":
    import jax
    _d = setup_inputs()
    print(jax.jit(kernel)(*tuple(_d.values())))

</pallas_src>

<mosaic_0001>
#map = affine_map<(d0, d1) -> (0, 0)>
module attributes {stable_mosaic.version = 14 : i64} {
  func.func @_sc_xi_body(%arg0: i32, %arg1: i32, %arg2: memref<1600x16384xf32, #tpu.memory_space<hbm>>, %arg3: memref<1600x16xf32, #tpu.memory_space<hbm>>, %arg4: memref<100x16384xf32, #tpu.memory_space<hbm>>, %arg5: memref<2x16x2048xf32, #tpu.memory_space<vmem>>, %arg6: memref<2x16x16xf32, #tpu.memory_space<vmem>>, %arg7: memref<2x2048xf32, #tpu.memory_space<vmem>>, %arg8: memref<2x!tpu.dma_semaphore, #tpu.memory_space<semaphore_mem>>, %arg9: memref<2x!tpu.dma_semaphore, #tpu.memory_space<semaphore_mem>>, %arg10: memref<2x!tpu.dma_semaphore, #tpu.memory_space<semaphore_mem>>) attributes {dimension_semantics = [#tpu.dimension_semantics<core_parallel>, #tpu.dimension_semantics<subcore_parallel>], iteration_bounds = array<i64: 2, 16>, scalar_prefetch = 0 : i64, scratch_operands = 6 : i64, tpu.core_type = #tpu.core_type<sc_vector_subcore>, window_params = [{transform_indices = #map}, {transform_indices = #map}, {transform_indices = #map}]} {
    %mul3A = arith.constant 2 : i32
    %mul3A_0 = arith.muli %arg1, %mul3A : i32
    %add3A = arith.addi %mul3A_0, %arg0 : i32
    %rem3A = arith.constant 8 : i32
    %rem3A_1 = arith.remsi %add3A, %rem3A : i32
    %jit3A = arith.constant 8 : i32
    %div3A = arith.divsi %add3A, %jit3A : i32
    %sign3A = arith.constant 0 : i32
    %sign3A_2 = arith.cmpi sgt, %add3A, %sign3A : i32
    %sign3A_3 = arith.extui %sign3A_2 : i1 to i32
    %sign3A_4 = arith.constant 0 : i32
    %sign3A_5 = arith.cmpi slt, %add3A, %sign3A_4 : i32
    %sign3A_6 = arith.extui %sign3A_5 : i1 to i32
    %sign3A_7 = arith.subi %sign3A_3, %sign3A_6 : i32
    %sign3A_8 = arith.constant 0 : i32
    %sign3A_9 = arith.cmpi sgt, %jit3A, %sign3A_8 : i32
    %sign3A_10 = arith.extui %sign3A_9 : i1 to i32
    %sign3A_11 = arith.constant 0 : i32
    %sign3A_12 = arith.cmpi slt, %jit3A, %sign3A_11 : i32
    %sign3A_13 = arith.extui %sign3A_12 : i1 to i32
    %sign3A_14 = arith.subi %sign3A_10, %sign3A_13 : i32
    %ne3A = arith.cmpi ne, %sign3A_7, %sign3A_14 : i32
    %rem3A_15 = arith.remsi %add3A, %jit3A : i32
    %ne3A_16 = arith.constant 0 : i32
    %ne3A_17 = arith.cmpi ne, %rem3A_15, %ne3A_16 : i32
    %and3A = arith.andi %ne3A, %ne3A_17 : i1
    %sub3A = arith.constant 1 : i32
    %sub3A_18 = arith.subi %div3A, %sub3A : i32
    %select_n3A = arith.select %and3A, %sub3A_18, %div3A : i32
    %mul3A_19 = arith.constant 2048 : i32
    %mul3A_20 = arith.muli %rem3A_1, %mul3A_19 : i32
    %multiple_of3A = tpu.assume_multiple %mul3A_20, 2048 : i32
    %mul3A_21 = arith.constant 20 : i32
    %mul3A_22 = arith.muli %select_n3A, %mul3A_21 : i32
    %add3A_23 = arith.constant 0 : i32
    %add3A_24 = arith.addi %mul3A_22, %add3A_23 : i32
    %mul3A_25 = arith.constant 16 : i32
    %mul3A_26 = arith.muli %add3A_24, %mul3A_25 : i32
    %multiple_of3A_27 = tpu.assume_multiple %mul3A_26, 16 : i32
    %dma_start3A = arith.constant 0 : i32
    %dma_start3A_28 = arith.constant 0 : i32
    %dma_start3A_29 = arith.constant 0 : i32
    %dma_start3A_30 = arith.constant 0 : i32
    %dma_start3A_31 = tpu.memref_slice %arg5[%dma_start3A, %dma_start3A_29, %dma_start3A_30] : memref<2x16x2048xf32, #tpu.memory_space<vmem>> -> memref<1x16x2048xf32, #tpu.memory_space<vmem>>
    %dma_start3A_32 = tpu.memref_squeeze %dma_start3A_31 : memref<1x16x2048xf32, #tpu.memory_space<vmem>> -> memref<16x2048xf32, #tpu.memory_space<vmem>>
    %dma_start3A_33 = tpu.memref_slice %arg2[%multiple_of3A_27, %multiple_of3A] : memref<1600x16384xf32, #tpu.memory_space<hbm>> -> memref<16x2048xf32, #tpu.memory_space<hbm>>
    %dma_start3A_34 = tpu.memref_slice %arg8[%dma_start3A_28] : memref<2x!tpu.dma_semaphore, #tpu.memory_space<semaphore_mem>> -> memref<1x!tpu.dma_semaphore, #tpu.memory_space<semaphore_mem>>
    %dma_start3A_35 = tpu.memref_squeeze %dma_start3A_34 : memref<1x!tpu.dma_semaphore, #tpu.memory_space<semaphore_mem>> -> memref<!tpu.dma_semaphore, #tpu.memory_space<semaphore_mem>>
    %dma_start3A_36 = arith.constant 0 : i32
    %dma_start3A_37 = arith.constant 0 : i32
    %dma_start3A_38 = tpu.memref_slice %arg5[%dma_start3A, %dma_start3A_36, %dma_start3A_37] : memref<2x16x2048xf32, #tpu.memory_space<vmem>> -> memref<1x16x2048xf32, #tpu.memory_space<vmem>>
    %dma_start3A_39 = tpu.memref_squeeze %dma_start3A_38 : memref<1x16x2048xf32, #tpu.memory_space<vmem>> -> memref<16x2048xf32, #tpu.memory_space<vmem>>
    %dma_start3A_40 = tpu.memref_slice %arg2[%multiple_of3A_27, %multiple_of3A] : memref<1600x16384xf32, #tpu.memory_space<hbm>> -> memref<16x2048xf32, #tpu.memory_space<hbm>>
    tpu.enqueue_dma source(%dma_start3A_40 : memref<16x2048xf32, #tpu.memory_space<hbm>>) target(%dma_start3A_39 : memref<16x2048xf32, #tpu.memory_space<vmem>>) target_semaphore(%dma_start3A_35 : memref<!tpu.dma_semaphore, #tpu.memory_space<semaphore_mem>>)
    %add3A_41 = arith.constant 0 : i32
    %add3A_42 = arith.addi %mul3A_22, %add3A_41 : i32
    %mul3A_43 = arith.constant 16 : i32
    %mul3A_44 = arith.muli %add3A_42, %mul3A_43 : i32
    %multiple_of3A_45 = tpu.assume_multiple %mul3A_44, 16 : i32
    %dma_start3A_46 = arith.constant 0 : i32
    %dma_start3A_47 = arith.constant 0 : i32
    %dma_start3A_48 = arith.constant 0 : i32
    %dma_start3A_49 = arith.constant 0 : i32
    %dma_start3A_50 = tpu.memref_slice %arg6[%dma_start3A_46, %dma_start3A_48, %dma_start3A_49] : memref<2x16x16xf32, #tpu.memory_space<vmem>> -> memref<1x16x16xf32, #tpu.memory_space<vmem>>
    %dma_start3A_51 = tpu.memref_squeeze %dma_start3A_50 : memref<1x16x16xf32, #tpu.memory_space<vmem>> -> memref<16x16xf32, #tpu.memory_space<vmem>>
    %dma_start3A_52 = arith.constant 0 : i32
    %dma_start3A_53 = tpu.memref_slice %arg3[%multiple_of3A_45, %dma_start3A_52] : memref<1600x16xf32, #tpu.memory_space<hbm>> -> memref<16x16xf32, #tpu.memory_space<hbm>>
    %dma_start3A_54 = tpu.memref_slice %arg9[%dma_start3A_47] : memref<2x!tpu.dma_semaphore, #tpu.memory_space<semaphore_mem>> -> memref<1x!tpu.dma_semaphore, #tpu.memory_space<semaphore_mem>>
    %dma_start3A_55 = tpu.memref_squeeze %dma_start3A_54 : memref<1x!tpu.dma_semaphore, #tpu.memory_space<semaphore_mem>> -> memref<!tpu.dma_semaphore, #tpu.memory_space<semaphore_mem>>
    %dma_start3A_56 = arith.constant 0 : i32
    %dma_start3A_57 = arith.constant 0 : i32
    %dma_start3A_58 = tpu.memref_slice %arg6[%dma_start3A_46, %dma_start3A_56, %dma_start3A_57] : memref<2x16x16xf32, #tpu.memory_space<vmem>> -> memref<1x16x16xf32, #tpu.memory_space<vmem>>
    %dma_start3A_59 = tpu.memref_squeeze %dma_start3A_58 : memref<1x16x16xf32, #tpu.memory_space<vmem>> -> memref<16x16xf32, #tpu.memory_space<vmem>>
    %dma_start3A_60 = arith.constant 0 : i32
    %dma_start3A_61 = tpu.memref_slice %arg3[%multiple_of3A_45, %dma_start3A_60] : memref<1600x16xf32, #tpu.memory_space<hbm>> -> memref<16x16xf32, #tpu.memory_space<hbm>>
    tpu.enqueue_dma source(%dma_start3A_61 : memref<16x16xf32, #tpu.memory_space<hbm>>) target(%dma_start3A_59 : memref<16x16xf32, #tpu.memory_space<vmem>>) target_semaphore(%dma_start3A_55 : memref<!tpu.dma_semaphore, #tpu.memory_space<semaphore_mem>>)
    %scan3A = arith.constant 0 : i32
    %scan3A_62 = arith.constant 0 : i32
    %scan3A_63 = arith.constant 20 : i32
    %scan3A_64 = arith.addi %scan3A_62, %scan3A_63 : i32
    %scan3A_65 = arith.constant 1 : i32
    scf.for %scan3A_98 = %scan3A_62 to %scan3A_64 step %scan3A_65  : i32 {
      %rem3A_99 = arith.constant 2 : i32
      %rem3A_100 = arith.remsi %scan3A_98, %rem3A_99 : i32
      %rem3A_101 = arith.constant 2 : i32
      %rem3A_102 = arith.remsi %scan3A_98, %rem3A_101 : i32
      %add3A_103 = arith.constant 2 : i32
      %add3A_104 = arith.addi %scan3A_98, %add3A_103 : i32
      %sub3A_105 = arith.constant 1 : i32
      %sub3A_106 = arith.subi %add3A_104, %sub3A_105 : i32
      %lt3A = arith.constant 20 : i32
      %lt3A_107 = arith.cmpi slt, %sub3A_106, %lt3A : i32
      %convert_element_type3A = arith.extui %lt3A_107 : i1 to i32
      %cond3A = arith.constant 0 : i32
      %cond3A_108 = arith.cmpi ne, %convert_element_type3A, %cond3A : i32
      scf.if %cond3A_108 {
        %rem3A_261 = arith.constant 2 : i32
        %rem3A_262 = arith.remsi %sub3A_106, %rem3A_261 : i32
        %add3A_263 = arith.addi %mul3A_22, %sub3A_106 : i32
        %mul3A_264 = arith.constant 16 : i32
        %mul3A_265 = arith.muli %add3A_263, %mul3A_264 : i32
        %multiple_of3A_266 = tpu.assume_multiple %mul3A_265, 16 : i32
        %dma_start3A_267 = arith.constant 0 : i32
        %dma_start3A_268 = arith.constant 0 : i32
        %dma_start3A_269 = tpu.memref_slice %arg5[%rem3A_262, %dma_start3A_267, %dma_start3A_268] : memref<2x16x2048xf32, #tpu.memory_space<vmem>> -> memref<1x16x2048xf32, #tpu.memory_space<vmem>>
        %dma_start3A_270 = tpu.memref_squeeze %dma_start3A_269 : memref<1x16x2048xf32, #tpu.memory_space<vmem>> -> memref<16x2048xf32, #tpu.memory_space<vmem>>
        %dma_start3A_271 = tpu.memref_slice %arg2[%multiple_of3A_266, %multiple_of3A] : memref<1600x16384xf32, #tpu.memory_space<hbm>> -> memref<16x2048xf32, #tpu.memory_space<hbm>>
        %dma_start3A_272 = tpu.memref_slice %arg8[%rem3A_262] : memref<2x!tpu.dma_semaphore, #tpu.memory_space<semaphore_mem>> -> memref<1x!tpu.dma_semaphore, #tpu.memory_space<semaphore_mem>>
        %dma_start3A_273 = tpu.memref_squeeze %dma_start3A_272 : memref<1x!tpu.dma_semaphore, #tpu.memory_space<semaphore_mem>> -> memref<!tpu.dma_semaphore, #tpu.memory_space<semaphore_mem>>
        %dma_start3A_274 = arith.constant 0 : i32
        %dma_start3A_275 = arith.constant 0 : i32
        %dma_start3A_276 = tpu.memref_slice %arg5[%rem3A_262, %dma_start3A_274, %dma_start3A_275] : memref<2x16x2048xf32, #tpu.memory_space<vmem>> -> memref<1x16x2048xf32, #tpu.memory_space<vmem>>
        %dma_start3A_277 = tpu.memref_squeeze %dma_start3A_276 : memref<1x16x2048xf32, #tpu.memory_space<vmem>> -> memref<16x2048xf32, #tpu.memory_space<vmem>>
        %dma_start3A_278 = tpu.memref_slice %arg2[%multiple_of3A_266, %multiple_of3A] : memref<1600x16384xf32, #tpu.memory_space<hbm>> -> memref<16x2048xf32, #tpu.memory_space<hbm>>
        tpu.enqueue_dma source(%dma_start3A_278 : memref<16x2048xf32, #tpu.memory_space<hbm>>) target(%dma_start3A_277 : memref<16x2048xf32, #tpu.memory_space<vmem>>) target_semaphore(%dma_start3A_273 : memref<!tpu.dma_semaphore, #tpu.memory_space<semaphore_mem>>)
        %add3A_279 = arith.addi %mul3A_22, %sub3A_106 : i32
        %mul3A_280 = arith.constant 16 : i32
        %mul3A_281 = arith.muli %add3A_279, %mul3A_280 : i32
        %multiple_of3A_282 = tpu.assume_multiple %mul3A_281, 16 : i32
        %dma_start3A_283 = arith.constant 0 : i32
        %dma_start3A_284 = arith.constant 0 : i32
        %dma_start3A_285 = tpu.memref_slice %arg6[%rem3A_262, %dma_start3A_283, %dma_start3A_284] : memref<2x16x16xf32, #tpu.memory_space<vmem>> -> memref<1x16x16xf32, #tpu.memory_space<vmem>>
        %dma_start3A_286 = tpu.memref_squeeze %dma_start3A_285 : memref<1x16x16xf32, #tpu.memory_space<vmem>> -> memref<16x16xf32, #tpu.memory_space<vmem>>
        %dma_start3A_287 = arith.constant 0 : i32
        %dma_start3A_288 = tpu.memref_slice %arg3[%multiple_of3A_282, %dma_start3A_287] : memref<1600x16xf32, #tpu.memory_space<hbm>> -> memref<16x16xf32, #tpu.memory_space<hbm>>
        %dma_start3A_289 = tpu.memref_slice %arg9[%rem3A_262] : memref<2x!tpu.dma_semaphore, #tpu.memory_space<semaphore_mem>> -> memref<1x!tpu.dma_semaphore, #tpu.memory_space<semaphore_mem>>
        %dma_start3A_290 = tpu.memref_squeeze %dma_start3A_289 : memref<1x!tpu.dma_semaphore, #tpu.memory_space<semaphore_mem>> -> memref<!tpu.dma_semaphore, #tpu.memory_space<semaphore_mem>>
        %dma_start3A_291 = arith.constant 0 : i32
        %dma_start3A_292 = arith.constant 0 : i32
        %dma_start3A_293 = tpu.memref_slice %arg6[%rem3A_262, %dma_start3A_291, %dma_start3A_292] : memref<2x16x16xf32, #tpu.memory_space<vmem>> -> memref<1x16x16xf32, #tpu.memory_space<vmem>>
        %dma_start3A_294 = tpu.memref_squeeze %dma_start3A_293 : memref<1x16x16xf32, #tpu.memory_space<vmem>> -> memref<16x16xf32, #tpu.memory_space<vmem>>
        %dma_start3A_295 = arith.constant 0 : i32
        %dma_start3A_296 = tpu.memref_slice %arg3[%multiple_of3A_282, %dma_start3A_295] : memref<1600x16xf32, #tpu.memory_space<hbm>> -> memref<16x16xf32, #tpu.memory_space<hbm>>
        tpu.enqueue_dma source(%dma_start3A_296 : memref<16x16xf32, #tpu.memory_space<hbm>>) target(%dma_start3A_294 : memref<16x16xf32, #tpu.memory_space<vmem>>) target_semaphore(%dma_start3A_290 : memref<!tpu.dma_semaphore, #tpu.memory_space<semaphore_mem>>)
      } else {
      }
      %add3A_109 = arith.addi %mul3A_22, %scan3A_98 : i32
      %mul3A_110 = arith.constant 16 : i32
      %mul3A_111 = arith.muli %add3A_109, %mul3A_110 : i32
      %multiple_of3A_112 = tpu.assume_multiple %mul3A_111, 16 : i32
      %dma_wait3A_113 = arith.constant 0 : i32
      %dma_wait3A_114 = arith.constant 0 : i32
      %dma_wait3A_115 = tpu.memref_slice %arg5[%rem3A_100, %dma_wait3A_113, %dma_wait3A_114] : memref<2x16x2048xf32, #tpu.memory_space<vmem>> -> memref<1x16x2048xf32, #tpu.memory_space<vmem>>
      %dma_wait3A_116 = tpu.memref_squeeze %dma_wait3A_115 : memref<1x16x2048xf32, #tpu.memory_space<vmem>> -> memref<16x2048xf32, #tpu.memory_space<vmem>>
      %dma_wait3A_117 = tpu.memref_slice %arg2[%multiple_of3A_112, %multiple_of3A] : memref<1600x16384xf32, #tpu.memory_space<hbm>> -> memref<16x2048xf32, #tpu.memory_space<hbm>>
      %dma_wait3A_118 = tpu.memref_slice %arg8[%rem3A_100] : memref<2x!tpu.dma_semaphore, #tpu.memory_space<semaphore_mem>> -> memref<1x!tpu.dma_semaphore, #tpu.memory_space<semaphore_mem>>
      %dma_wait3A_119 = tpu.memref_squeeze %dma_wait3A_118 : memref<1x!tpu.dma_semaphore, #tpu.memory_space<semaphore_mem>> -> memref<!tpu.dma_semaphore, #tpu.memory_space<semaphore_mem>>
      %dma_wait3A_120 = arith.constant 0 : i32
      %dma_wait3A_121 = arith.constant 0 : i32
      %dma_wait3A_122 = tpu.memref_slice %arg5[%rem3A_100, %dma_wait3A_120, %dma_wait3A_121] : memref<2x16x2048xf32, #tpu.memory_space<vmem>> -> memref<1x16x2048xf32, #tpu.memory_space<vmem>>
      %dma_wait3A_123 = tpu.memref_squeeze %dma_wait3A_122 : memref<1x16x2048xf32, #tpu.memory_space<vmem>> -> memref<16x2048xf32, #tpu.memory_space<vmem>>
      %dma_wait3A_124 = tpu.memref_slice %arg2[%multiple_of3A_112, %multiple_of3A] : memref<1600x16384xf32, #tpu.memory_space<hbm>> -> memref<16x2048xf32, #tpu.memory_space<hbm>>
      tpu.wait_dma2 semaphore(%dma_wait3A_119 : memref<!tpu.dma_semaphore, #tpu.memory_space<semaphore_mem>>) src(%dma_wait3A_124 : memref<16x2048xf32, #tpu.memory_space<hbm>>) dst(%dma_wait3A_123 : memref<16x2048xf32, #tpu.memory_space<vmem>>)
      %add3A_125 = arith.addi %mul3A_22, %scan3A_98 : i32
      %mul3A_126 = arith.constant 16 : i32
      %mul3A_127 = arith.muli %add3A_125, %mul3A_126 : i32
      %multiple_of3A_128 = tpu.assume_multiple %mul3A_127, 16 : i32
      %dma_wait3A_129 = arith.constant 0 : i32
      %dma_wait3A_130 = arith.constant 0 : i32
      %dma_wait3A_131 = tpu.memref_slice %arg6[%rem3A_100, %dma_wait3A_129, %dma_wait3A_130] : memref<2x16x16xf32, #tpu.memory_space<vmem>> -> memref<1x16x16xf32, #tpu.memory_space<vmem>>
      %dma_wait3A_132 = tpu.memref_squeeze %dma_wait3A_131 : memref<1x16x16xf32, #tpu.memory_space<vmem>> -> memref<16x16xf32, #tpu.memory_space<vmem>>
      %dma_wait3A_133 = arith.constant 0 : i32
      %dma_wait3A_134 = tpu.memref_slice %arg3[%multiple_of3A_128, %dma_wait3A_133] : memref<1600x16xf32, #tpu.memory_space<hbm>> -> memref<16x16xf32, #tpu.memory_space<hbm>>
      %dma_wait3A_135 = tpu.memref_slice %arg9[%rem3A_100] : memref<2x!tpu.dma_semaphore, #tpu.memory_space<semaphore_mem>> -> memref<1x!tpu.dma_semaphore, #tpu.memory_space<semaphore_mem>>
      %dma_wait3A_136 = tpu.memref_squeeze %dma_wait3A_135 : memref<1x!tpu.dma_semaphore, #tpu.memory_space<semaphore_mem>> -> memref<!tpu.dma_semaphore, #tpu.memory_space<semaphore_mem>>
      %dma_wait3A_137 = arith.constant 0 : i32
      %dma_wait3A_138 = arith.constant 0 : i32
      %dma_wait3A_139 = tpu.memref_slice %arg6[%rem3A_100, %dma_wait3A_137, %dma_wait3A_138] : memref<2x16x16xf32, #tpu.memory_space<vmem>> -> memref<1x16x16xf32, #tpu.memory_space<vmem>>
      %dma_wait3A_140 = tpu.memref_squeeze %dma_wait3A_139 : memref<1x16x16xf32, #tpu.memory_space<vmem>> -> memref<16x16xf32, #tpu.memory_space<vmem>>
      %dma_wait3A_141 = arith.constant 0 : i32
      %dma_wait3A_142 = tpu.memref_slice %arg3[%multiple_of3A_128, %dma_wait3A_141] : memref<1600x16xf32, #tpu.memory_space<hbm>> -> memref<16x16xf32, #tpu.memory_space<hbm>>
      tpu.wait_dma2 semaphore(%dma_wait3A_136 : memref<!tpu.dma_semaphore, #tpu.memory_space<semaphore_mem>>) src(%dma_wait3A_142 : memref<16x16xf32, #tpu.memory_space<hbm>>) dst(%dma_wait3A_140 : memref<16x16xf32, #tpu.memory_space<vmem>>)
      %ge3A = arith.constant 2 : i32
      %ge3A_143 = arith.cmpi sge, %scan3A_98, %ge3A : i32
      %convert_element_type3A_144 = arith.extui %ge3A_143 : i1 to i32
      %cond3A_145 = arith.constant 0 : i32
      %cond3A_146 = arith.cmpi ne, %convert_element_type3A_144, %cond3A_145 : i32
      scf.if %cond3A_146 {
        %add3A_261 = arith.addi %mul3A_22, %scan3A_98 : i32
        %sub3A_262 = arith.constant 2 : i32
        %sub3A_263 = arith.subi %add3A_261, %sub3A_262 : i32
        %dma_wait3A_264 = arith.constant 0 : i32
        %dma_wait3A_265 = tpu.memref_slice %arg7[%rem3A_102, %dma_wait3A_264] : memref<2x2048xf32, #tpu.memory_space<vmem>> -> memref<1x2048xf32, #tpu.memory_space<vmem>>
        %dma_wait3A_266 = tpu.memref_squeeze %dma_wait3A_265 : memref<1x2048xf32, #tpu.memory_space<vmem>> -> memref<2048xf32, #tpu.memory_space<vmem>>
        %dma_wait3A_267 = tpu.memref_slice %arg4[%sub3A_263, %multiple_of3A] : memref<100x16384xf32, #tpu.memory_space<hbm>> -> memref<1x2048xf32, #tpu.memory_space<hbm>>
        %dma_wait3A_268 = tpu.memref_squeeze %dma_wait3A_267 : memref<1x2048xf32, #tpu.memory_space<hbm>> -> memref<2048xf32, #tpu.memory_space<hbm>>
        %dma_wait3A_269 = tpu.memref_slice %arg10[%rem3A_102] : memref<2x!tpu.dma_semaphore, #tpu.memory_space<semaphore_mem>> -> memref<1x!tpu.dma_semaphore, #tpu.memory_space<semaphore_mem>>
        %dma_wait3A_270 = tpu.memref_squeeze %dma_wait3A_269 : memref<1x!tpu.dma_semaphore, #tpu.memory_space<semaphore_mem>> -> memref<!tpu.dma_semaphore, #tpu.memory_space<semaphore_mem>>
        %dma_wait3A_271 = tpu.memref_slice %arg4[%sub3A_263, %multiple_of3A] : memref<100x16384xf32, #tpu.memory_space<hbm>> -> memref<1x2048xf32, #tpu.memory_space<hbm>>
        %dma_wait3A_272 = tpu.memref_squeeze %dma_wait3A_271 : memref<1x2048xf32, #tpu.memory_space<hbm>> -> memref<2048xf32, #tpu.memory_space<hbm>>
        %dma_wait3A_273 = arith.constant 0 : i32
        %dma_wait3A_274 = tpu.memref_slice %arg7[%rem3A_102, %dma_wait3A_273] : memref<2x2048xf32, #tpu.memory_space<vmem>> -> memref<1x2048xf32, #tpu.memory_space<vmem>>
        %dma_wait3A_275 = tpu.memref_squeeze %dma_wait3A_274 : memref<1x2048xf32, #tpu.memory_space<vmem>> -> memref<2048xf32, #tpu.memory_space<vmem>>
        tpu.wait_dma2 semaphore(%dma_wait3A_270 : memref<!tpu.dma_semaphore, #tpu.memory_space<semaphore_mem>>) src(%dma_wait3A_275 : memref<2048xf32, #tpu.memory_space<vmem>>) dst(%dma_wait3A_272 : memref<2048xf32, #tpu.memory_space<hbm>>)
      } else {
      }
      %get3A = arith.constant 0 : i32
      %get3A_147 = arith.index_cast %rem3A_100 : i32 to index
      %get3A_148 = arith.index_cast %get3A : i32 to index
      %get3A_149 = arith.constant 0 : index
      %get3A_150 = tpu.vector_load %arg6[%get3A_147, %get3A_148, %get3A_149] {strides = array<i32>} : memref<2x16x16xf32, #tpu.memory_space<vmem>>, vector<1x1x16xf32>,
      %get3A_151 = vector.shape_cast %get3A_150 : vector<1x1x16xf32> to vector<16xf32>
      %get3A_152 = arith.constant 1 : i32
      %get3A_153 = arith.index_cast %rem3A_100 : i32 to index
      %get3A_154 = arith.index_cast %get3A_152 : i32 to index
      %get3A_155 = arith.constant 0 : index
      %get3A_156 = tpu.vector_load %arg6[%get3A_153, %get3A_154, %get3A_155] {strides = array<i32>} : memref<2x16x16xf32, #tpu.memory_space<vmem>>, vector<1x1x16xf32>,
      %get3A_157 = vector.shape_cast %get3A_156 : vector<1x1x16xf32> to vector<16xf32>
      %get3A_158 = arith.constant 2 : i32
      %get3A_159 = arith.index_cast %rem3A_100 : i32 to index
      %get3A_160 = arith.index_cast %get3A_158 : i32 to index
      %get3A_161 = arith.constant 0 : index
      %get3A_162 = tpu.vector_load %arg6[%get3A_159, %get3A_160, %get3A_161] {strides = array<i32>} : memref<2x16x16xf32, #tpu.memory_space<vmem>>, vector<1x1x16xf32>,
      %get3A_163 = vector.shape_cast %get3A_162 : vector<1x1x16xf32> to vector<16xf32>
      %get3A_164 = arith.constant 3 : i32
      %get3A_165 = arith.index_cast %rem3A_100 : i32 to index
      %get3A_166 = arith.index_cast %get3A_164 : i32 to index
      %get3A_167 = arith.constant 0 : index
      %get3A_168 = tpu.vector_load %arg6[%get3A_165, %get3A_166, %get3A_167] {strides = array<i32>} : memref<2x16x16xf32, #tpu.memory_space<vmem>>, vector<1x1x16xf32>,
      %get3A_169 = vector.shape_cast %get3A_168 : vector<1x1x16xf32> to vector<16xf32>
      %get3A_170 = arith.constant 4 : i32
      %get3A_171 = arith.index_cast %rem3A_100 : i32 to index
      %get3A_172 = arith.index_cast %get3A_170 : i32 to index
      %get3A_173 = arith.constant 0 : index
      %get3A_174 = tpu.vector_load %arg6[%get3A_171, %get3A_172, %get3A_173] {strides = array<i32>} : memref<2x16x16xf32, #tpu.memory_space<vmem>>, vector<1x1x16xf32>,
      %get3A_175 = vector.shape_cast %get3A_174 : vector<1x1x16xf32> to vector<16xf32>
      %get3A_176 = arith.constant 5 : i32
      %get3A_177 = arith.index_cast %rem3A_100 : i32 to index
      %get3A_178 = arith.index_cast %get3A_176 : i32 to index
      %get3A_179 = arith.constant 0 : index
      %get3A_180 = tpu.vector_load %arg6[%get3A_177, %get3A_178, %get3A_179] {strides = array<i32>} : memref<2x16x16xf32, #tpu.memory_space<vmem>>, vector<1x1x16xf32>,
      %get3A_181 = vector.shape_cast %get3A_180 : vector<1x1x16xf32> to vector<16xf32>
      %get3A_182 = arith.constant 6 : i32
      %get3A_183 = arith.index_cast %rem3A_100 : i32 to index
      %get3A_184 = arith.index_cast %get3A_182 : i32 to index
      %get3A_185 = arith.constant 0 : index
      %get3A_186 = tpu.vector_load %arg6[%get3A_183, %get3A_184, %get3A_185] {strides = array<i32>} : memref<2x16x16xf32, #tpu.memory_space<vmem>>, vector<1x1x16xf32>,
      %get3A_187 = vector.shape_cast %get3A_186 : vector<1x1x16xf32> to vector<16xf32>
      %get3A_188 = arith.constant 7 : i32
      %get3A_189 = arith.index_cast %rem3A_100 : i32 to index
      %get3A_190 = arith.index_cast %get3A_188 : i32 to index
      %get3A_191 = arith.constant 0 : index
      %get3A_192 = tpu.vector_load %arg6[%get3A_189, %get3A_190, %get3A_191] {strides = array<i32>} : memref<2x16x16xf32, #tpu.memory_space<vmem>>, vector<1x1x16xf32>,
      %get3A_193 = vector.shape_cast %get3A_192 : vector<1x1x16xf32> to vector<16xf32>
      %get3A_194 = arith.constant 8 : i32
      %get3A_195 = arith.index_cast %rem3A_100 : i32 to index
      %get3A_196 = arith.index_cast %get3A_194 : i32 to index
      %get3A_197 = arith.constant 0 : index
      %get3A_198 = tpu.vector_load %arg6[%get3A_195, %get3A_196, %get3A_197] {strides = array<i32>} : memref<2x16x16xf32, #tpu.memory_space<vmem>>, vector<1x1x16xf32>,
      %get3A_199 = vector.shape_cast %get3A_198 : vector<1x1x16xf32> to vector<16xf32>
      %get3A_200 = arith.constant 9 : i32
      %get3A_201 = arith.index_cast %rem3A_100 : i32 to index
      %get3A_202 = arith.index_cast %get3A_200 : i32 to index
      %get3A_203 = arith.constant 0 : index
      %get3A_204 = tpu.vector_load %arg6[%get3A_201, %get3A_202, %get3A_203] {strides = array<i32>} : memref<2x16x16xf32, #tpu.memory_space<vmem>>, vector<1x1x16xf32>,
      %get3A_205 = vector.shape_cast %get3A_204 : vector<1x1x16xf32> to vector<16xf32>
      %get3A_206 = arith.constant 10 : i32
      %get3A_207 = arith.index_cast %rem3A_100 : i32 to index
      %get3A_208 = arith.index_cast %get3A_206 : i32 to index
      %get3A_209 = arith.constant 0 : index
      %get3A_210 = tpu.vector_load %arg6[%get3A_207, %get3A_208, %get3A_209] {strides = array<i32>} : memref<2x16x16xf32, #tpu.memory_space<vmem>>, vector<1x1x16xf32>,
      %get3A_211 = vector.shape_cast %get3A_210 : vector<1x1x16xf32> to vector<16xf32>
      %get3A_212 = arith.constant 11 : i32
      %get3A_213 = arith.index_cast %rem3A_100 : i32 to index
      %get3A_214 = arith.index_cast %get3A_212 : i32 to index
      %get3A_215 = arith.constant 0 : index
      %get3A_216 = tpu.vector_load %arg6[%get3A_213, %get3A_214, %get3A_215] {strides = array<i32>} : memref<2x16x16xf32, #tpu.memory_space<vmem>>, vector<1x1x16xf32>,
      %get3A_217 = vector.shape_cast %get3A_216 : vector<1x1x16xf32> to vector<16xf32>
      %get3A_218 = arith.constant 12 : i32
      %get3A_219 = arith.index_cast %rem3A_100 : i32 to index
      %get3A_220 = arith.index_cast %get3A_218 : i32 to index
      %get3A_221 = arith.constant 0 : index
      %get3A_222 = tpu.vector_load %arg6[%get3A_219, %get3A_220, %get3A_221] {strides = array<i32>} : memref<2x16x16xf32, #tpu.memory_space<vmem>>, vector<1x1x16xf32>,
      %get3A_223 = vector.shape_cast %get3A_222 : vector<1x1x16xf32> to vector<16xf32>
      %get3A_224 = arith.constant 13 : i32
      %get3A_225 = arith.index_cast %rem3A_100 : i32 to index
      %get3A_226 = arith.index_cast %get3A_224 : i32 to index
      %get3A_227 = arith.constant 0 : index
      %get3A_228 = tpu.vector_load %arg6[%get3A_225, %get3A_226, %get3A_227] {strides = array<i32>} : memref<2x16x16xf32, #tpu.memory_space<vmem>>, vector<1x1x16xf32>,
      %get3A_229 = vector.shape_cast %get3A_228 : vector<1x1x16xf32> to vector<16xf32>
      %get3A_230 = arith.constant 14 : i32
      %get3A_231 = arith.index_cast %rem3A_100 : i32 to index
      %get3A_232 = arith.index_cast %get3A_230 : i32 to index
      %get3A_233 = arith.constant 0 : index
      %get3A_234 = tpu.vector_load %arg6[%get3A_231, %get3A_232, %get3A_233] {strides = array<i32>} : memref<2x16x16xf32, #tpu.memory_space<vmem>>, vector<1x1x16xf32>,
      %get3A_235 = vector.shape_cast %get3A_234 : vector<1x1x16xf32> to vector<16xf32>
      %get3A_236 = arith.constant 15 : i32
      %get3A_237 = arith.index_cast %rem3A_100 : i32 to index
      %get3A_238 = arith.index_cast %get3A_236 : i32 to index
      %get3A_239 = arith.constant 0 : index
      %get3A_240 = tpu.vector_load %arg6[%get3A_237, %get3A_238, %get3A_239] {strides = array<i32>} : memref<2x16x16xf32, #tpu.memory_space<vmem>>, vector<1x1x16xf32>,
      %get3A_241 = vector.shape_cast %get3A_240 : vector<1x1x16xf32> to vector<16xf32>
      %scan3A_242 = arith.constant 0 : i32
      %scan3A_243 = arith.constant 0 : i32
      %scan3A_244 = arith.constant 64 : i32
      %scan3A_245 = arith.addi %scan3A_243, %scan3A_244 : i32
      %scan3A_246 = arith.constant 1 : i32
      scf.for %scan3A_261 = %scan3A_243 to %scan3A_245 step %scan3A_246  : i32 {
        %mul3A_262 = arith.constant 32 : i32
        %mul3A_263 = arith.muli %scan3A_261, %mul3A_262 : i32
        %add3A_264 = arith.constant 0 : i32
        %add3A_265 = arith.addi %mul3A_263, %add3A_264 : i32
        %multiple_of3A_266 = tpu.assume_multiple %add3A_265, 16 : i32
        %get3A_267 = arith.constant 0 : i32
        %get3A_268 = arith.index_cast %rem3A_100 : i32 to index
        %get3A_269 = arith.index_cast %get3A_267 : i32 to index
        %get3A_270 = arith.index_cast %multiple_of3A_266 : i32 to index
        %get3A_271 = tpu.vector_load %arg5[%get3A_268, %get3A_269, %get3A_270] {strides = array<i32>} : memref<2x16x2048xf32, #tpu.memory_space<vmem>>, vector<1x1x16xf32>,
        %get3A_272 = vector.shape_cast %get3A_271 : vector<1x1x16xf32> to vector<16xf32>
        %mul3A_273 = arith.mulf %get3A_151, %get3A_272 : vector<16xf32>
        %get3A_274 = arith.constant 1 : i32
        %get3A_275 = arith.index_cast %rem3A_100 : i32 to index
        %get3A_276 = arith.index_cast %get3A_274 : i32 to index
        %get3A_277 = arith.index_cast %multiple_of3A_266 : i32 to index
        %get3A_278 = tpu.vector_load %arg5[%get3A_275, %get3A_276, %get3A_277] {strides = array<i32>} : memref<2x16x2048xf32, #tpu.memory_space<vmem>>, vector<1x1x16xf32>,
        %get3A_279 = vector.shape_cast %get3A_278 : vector<1x1x16xf32> to vector<16xf32>
        %mul3A_280 = arith.mulf %get3A_157, %get3A_279 : vector<16xf32>
        %get3A_281 = arith.constant 2 : i32
        %get3A_282 = arith.index_cast %rem3A_100 : i32 to index
        %get3A_283 = arith.index_cast %get3A_281 : i32 to index
        %get3A_284 = arith.index_cast %multiple_of3A_266 : i32 to index
        %get3A_285 = tpu.vector_load %arg5[%get3A_282, %get3A_283, %get3A_284] {strides = array<i32>} : memref<2x16x2048xf32, #tpu.memory_space<vmem>>, vector<1x1x16xf32>,
        %get3A_286 = vector.shape_cast %get3A_285 : vector<1x1x16xf32> to vector<16xf32>
        %mul3A_287 = arith.mulf %get3A_163, %get3A_286 : vector<16xf32>
        %get3A_288 = arith.constant 3 : i32
        %get3A_289 = arith.index_cast %rem3A_100 : i32 to index
        %get3A_290 = arith.index_cast %get3A_288 : i32 to index
        %get3A_291 = arith.index_cast %multiple_of3A_266 : i32 to index
        %get3A_292 = tpu.vector_load %arg5[%get3A_289, %get3A_290, %get3A_291] {strides = array<i32>} : memref<2x16x2048xf32, #tpu.memory_space<vmem>>, vector<1x1x16xf32>,
        %get3A_293 = vector.shape_cast %get3A_292 : vector<1x1x16xf32> to vector<16xf32>
        %mul3A_294 = arith.mulf %get3A_169, %get3A_293 : vector<16xf32>
        %get3A_295 = arith.constant 4 : i32
        %get3A_296 = arith.index_cast %rem3A_100 : i32 to index
        %get3A_297 = arith.index_cast %get3A_295 : i32 to index
        %get3A_298 = arith.index_cast %multiple_of3A_266 : i32 to index
        %get3A_299 = tpu.vector_load %arg5[%get3A_296, %get3A_297, %get3A_298] {strides = array<i32>} : memref<2x16x2048xf32, #tpu.memory_space<vmem>>, vector<1x1x16xf32>,
        %get3A_300 = vector.shape_cast %get3A_299 : vector<1x1x16xf32> to vector<16xf32>
        %mul3A_301 = arith.mulf %get3A_175, %get3A_300 : vector<16xf32>
        %get3A_302 = arith.constant 5 : i32
        %get3A_303 = arith.index_cast %rem3A_100 : i32 to index
        %get3A_304 = arith.index_cast %get3A_302 : i32 to index
        %get3A_305 = arith.index_cast %multiple_of3A_266 : i32 to index
        %get3A_306 = tpu.vector_load %arg5[%get3A_303, %get3A_304, %get3A_305] {strides = array<i32>} : memref<2x16x2048xf32, #tpu.memory_space<vmem>>, vector<1x1x16xf32>,
        %get3A_307 = vector.shape_cast %get3A_306 : vector<1x1x16xf32> to vector<16xf32>
        %mul3A_308 = arith.mulf %get3A_181, %get3A_307 : vector<16xf32>
        %get3A_309 = arith.constant 6 : i32
        %get3A_310 = arith.index_cast %rem3A_100 : i32 to index
        %get3A_311 = arith.index_cast %get3A_309 : i32 to index
        %get3A_312 = arith.index_cast %multiple_of3A_266 : i32 to index
        %get3A_313 = tpu.vector_load %arg5[%get3A_310, %get3A_311, %get3A_312] {strides = array<i32>} : memref<2x16x2048xf32, #tpu.memory_space<vmem>>, vector<1x1x16xf32>,
        %get3A_314 = vector.shape_cast %get3A_313 : vector<1x1x16xf32> to vector<16xf32>
        %mul3A_315 = arith.mulf %get3A_187, %get3A_314 : vector<16xf32>
        %get3A_316 = arith.constant 7 : i32
        %get3A_317 = arith.index_cast %rem3A_100 : i32 to index
        %get3A_318 = arith.index_cast %get3A_316 : i32 to index
        %get3A_319 = arith.index_cast %multiple_of3A_266 : i32 to index
        %get3A_320 = tpu.vector_load %arg5[%get3A_317, %get3A_318, %get3A_319] {strides = array<i32>} : memref<2x16x2048xf32, #tpu.memory_space<vmem>>, vector<1x1x16xf32>,
        %get3A_321 = vector.shape_cast %get3A_320 : vector<1x1x16xf32> to vector<16xf32>
        %mul3A_322 = arith.mulf %get3A_193, %get3A_321 : vector<16xf32>
        %get3A_323 = arith.constant 8 : i32
        %get3A_324 = arith.index_cast %rem3A_100 : i32 to index
        %get3A_325 = arith.index_cast %get3A_323 : i32 to index
        %get3A_326 = arith.index_cast %multiple_of3A_266 : i32 to index
        %get3A_327 = tpu.vector_load %arg5[%get3A_324, %get3A_325, %get3A_326] {strides = array<i32>} : memref<2x16x2048xf32, #tpu.memory_space<vmem>>, vector<1x1x16xf32>,
        %get3A_328 = vector.shape_cast %get3A_327 : vector<1x1x16xf32> to vector<16xf32>
        %mul3A_329 = arith.mulf %get3A_199, %get3A_328 : vector<16xf32>
        %get3A_330 = arith.constant 9 : i32
        %get3A_331 = arith.index_cast %rem3A_100 : i32 to index
        %get3A_332 = arith.index_cast %get3A_330 : i32 to index
        %get3A_333 = arith.index_cast %multiple_of3A_266 : i32 to index
        %get3A_334 = tpu.vector_load %arg5[%get3A_331, %get3A_332, %get3A_333] {strides = array<i32>} : memref<2x16x2048xf32, #tpu.memory_space<vmem>>, vector<1x1x16xf32>,
        %get3A_335 = vector.shape_cast %get3A_334 : vector<1x1x16xf32> to vector<16xf32>
        %mul3A_336 = arith.mulf %get3A_205, %get3A_335 : vector<16xf32>
        %get3A_337 = arith.constant 10 : i32
        %get3A_338 = arith.index_cast %rem3A_100 : i32 to index
        %get3A_339 = arith.index_cast %get3A_337 : i32 to index
        %get3A_340 = arith.index_cast %multiple_of3A_266 : i32 to index
        %get3A_341 = tpu.vector_load %arg5[%get3A_338, %get3A_339, %get3A_340] {strides = array<i32>} : memref<2x16x2048xf32, #tpu.memory_space<vmem>>, vector<1x1x16xf32>,
        %get3A_342 = vector.shape_cast %get3A_341 : vector<1x1x16xf32> to vector<16xf32>
        %mul3A_343 = arith.mulf %get3A_211, %get3A_342 : vector<16xf32>
        %get3A_344 = arith.constant 11 : i32
        %get3A_345 = arith.index_cast %rem3A_100 : i32 to index
        %get3A_346 = arith.index_cast %get3A_344 : i32 to index
        %get3A_347 = arith.index_cast %multiple_of3A_266 : i32 to index
        %get3A_348 = tpu.vector_load %arg5[%get3A_345, %get3A_346, %get3A_347] {strides = array<i32>} : memref<2x16x2048xf32, #tpu.memory_space<vmem>>, vector<1x1x16xf32>,
        %get3A_349 = vector.shape_cast %get3A_348 : vector<1x1x16xf32> to vector<16xf32>
        %mul3A_350 = arith.mulf %get3A_217, %get3A_349 : vector<16xf32>
        %get3A_351 = arith.constant 12 : i32
        %get3A_352 = arith.index_cast %rem3A_100 : i32 to index
        %get3A_353 = arith.index_cast %get3A_351 : i32 to index
        %get3A_354 = arith.index_cast %multiple_of3A_266 : i32 to index
        %get3A_355 = tpu.vector_load %arg5[%get3A_352, %get3A_353, %get3A_354] {strides = array<i32>} : memref<2x16x2048xf32, #tpu.memory_space<vmem>>, vector<1x1x16xf32>,
        %get3A_356 = vector.shape_cast %get3A_355 : vector<1x1x16xf32> to vector<16xf32>
        %mul3A_357 = arith.mulf %get3A_223, %get3A_356 : vector<16xf32>
        %get3A_358 = arith.constant 13 : i32
        %get3A_359 = arith.index_cast %rem3A_100 : i32 to index
        %get3A_360 = arith.index_cast %get3A_358 : i32 to index
        %get3A_361 = arith.index_cast %multiple_of3A_266 : i32 to index
        %get3A_362 = tpu.vector_load %arg5[%get3A_359, %get3A_360, %get3A_361] {strides = array<i32>} : memref<2x16x2048xf32, #tpu.memory_space<vmem>>, vector<1x1x16xf32>,
        %get3A_363 = vector.shape_cast %get3A_362 : vector<1x1x16xf32> to vector<16xf32>
        %mul3A_364 = arith.mulf %get3A_229, %get3A_363 : vector<16xf32>
        %get3A_365 = arith.constant 14 : i32
        %get3A_366 = arith.index_cast %rem3A_100 : i32 to index
        %get3A_367 = arith.index_cast %get3A_365 : i32 to index
        %get3A_368 = arith.index_cast %multiple_of3A_266 : i32 to index
        %get3A_369 = tpu.vector_load %arg5[%get3A_366, %get3A_367, %get3A_368] {strides = array<i32>} : memref<2x16x2048xf32, #tpu.memory_space<vmem>>, vector<1x1x16xf32>,
        %get3A_370 = vector.shape_cast %get3A_369 : vector<1x1x16xf32> to vector<16xf32>
        %mul3A_371 = arith.mulf %get3A_235, %get3A_370 : vector<16xf32>
        %get3A_372 = arith.constant 15 : i32
        %get3A_373 = arith.index_cast %rem3A_100 : i32 to index
        %get3A_374 = arith.index_cast %get3A_372 : i32 to index
        %get3A_375 = arith.index_cast %multiple_of3A_266 : i32 to index
        %get3A_376 = tpu.vector_load %arg5[%get3A_373, %get3A_374, %get3A_375] {strides = array<i32>} : memref<2x16x2048xf32, #tpu.memory_space<vmem>>, vector<1x1x16xf32>,
        %get3A_377 = vector.shape_cast %get3A_376 : vector<1x1x16xf32> to vector<16xf32>
        %mul3A_378 = arith.mulf %get3A_241, %get3A_377 : vector<16xf32>
        %add3A_379 = arith.addf %mul3A_273, %mul3A_280 : vector<16xf32>
        %add3A_380 = arith.addf %mul3A_287, %mul3A_294 : vector<16xf32>
        %add3A_381 = arith.addf %mul3A_301, %mul3A_308 : vector<16xf32>
        %add3A_382 = arith.addf %mul3A_315, %mul3A_322 : vector<16xf32>
        %add3A_383 = arith.addf %mul3A_329, %mul3A_336 : vector<16xf32>
        %add3A_384 = arith.addf %mul3A_343, %mul3A_350 : vector<16xf32>
        %add3A_385 = arith.addf %mul3A_357, %mul3A_364 : vector<16xf32>
        %add3A_386 = arith.addf %mul3A_371, %mul3A_378 : vector<16xf32>
        %add3A_387 = arith.addf %add3A_379, %add3A_380 : vector<16xf32>
        %add3A_388 = arith.addf %add3A_381, %add3A_382 : vector<16xf32>
        %add3A_389 = arith.addf %add3A_383, %add3A_384 : vector<16xf32>
        %add3A_390 = arith.addf %add3A_385, %add3A_386 : vector<16xf32>
        %add3A_391 = arith.addf %add3A_387, %add3A_388 : vector<16xf32>
        %add3A_392 = arith.addf %add3A_389, %add3A_390 : vector<16xf32>
        %add3A_393 = arith.addf %add3A_391, %add3A_392 : vector<16xf32>
        %swap3A = arith.index_cast %rem3A_102 : i32 to index
        %swap3A_394 = arith.index_cast %multiple_of3A_266 : i32 to index
        %swap3A_395 = tpu.vector_load %arg7[%swap3A, %swap3A_394] {strides = array<i32>} : memref<2x2048xf32, #tpu.memory_space<vmem>>, vector<1x16xf32>,
        %swap3A_396 = vector.shape_cast %swap3A_395 : vector<1x16xf32> to vector<16xf32>
        %swap3A_397 = vector.shape_cast %add3A_393 : vector<16xf32> to vector<1x16xf32>
        tpu.vector_store %arg7[%swap3A, %swap3A_394], %swap3A_397 {strides = array<i32>} : memref<2x2048xf32, #tpu.memory_space<vmem>>, vector<1x16xf32>,
        %mul3A_398 = arith.constant 32 : i32
        %mul3A_399 = arith.muli %scan3A_261, %mul3A_398 : i32
        %add3A_400 = arith.constant 16 : i32
        %add3A_401 = arith.addi %mul3A_399, %add3A_400 : i32
        %multiple_of3A_402 = tpu.assume_multiple %add3A_401, 16 : i32
        %get3A_403 = arith.constant 0 : i32
        %get3A_404 = arith.index_cast %rem3A_100 : i32 to index
        %get3A_405 = arith.index_cast %get3A_403 : i32 to index
        %get3A_406 = arith.index_cast %multiple_of3A_402 : i32 to index
        %get3A_407 = tpu.vector_load %arg5[%get3A_404, %get3A_405, %get3A_406] {strides = array<i32>} : memref<2x16x2048xf32, #tpu.memory_space<vmem>>, vector<1x1x16xf32>,
        %get3A_408 = vector.shape_cast %get3A_407 : vector<1x1x16xf32> to vector<16xf32>
        %mul3A_409 = arith.mulf %get3A_151, %get3A_408 : vector<16xf32>
        %get3A_410 = arith.constant 1 : i32
        %get3A_411 = arith.index_cast %rem3A_100 : i32 to index
        %get3A_412 = arith.index_cast %get3A_410 : i32 to index
        %get3A_413 = arith.index_cast %multiple_of3A_402 : i32 to index
        %get3A_414 = tpu.vector_load %arg5[%get3A_411, %get3A_412, %get3A_413] {strides = array<i32>} : memref<2x16x2048xf32, #tpu.memory_space<vmem>>, vector<1x1x16xf32>,
        %get3A_415 = vector.shape_cast %get3A_414 : vector<1x1x16xf32> to vector<16xf32>
        %mul3A_416 = arith.mulf %get3A_157, %get3A_415 : vector<16xf32>
        %get3A_417 = arith.constant 2 : i32
        %get3A_418 = arith.index_cast %rem3A_100 : i32 to index
        %get3A_419 = arith.index_cast %get3A_417 : i32 to index
        %get3A_420 = arith.index_cast %multiple_of3A_402 : i32 to index
        %get3A_421 = tpu.vector_load %arg5[%get3A_418, %get3A_419, %get3A_420] {strides = array<i32>} : memref<2x16x2048xf32, #tpu.memory_space<vmem>>, vector<1x1x16xf32>,
        %get3A_422 = vector.shape_cast %get3A_421 : vector<1x1x16xf32> to vector<16xf32>
        %mul3A_423 = arith.mulf %get3A_163, %get3A_422 : vector<16xf32>
        %get3A_424 = arith.constant 3 : i32
        %get3A_425 = arith.index_cast %rem3A_100 : i32 to index
        %get3A_426 = arith.index_cast %get3A_424 : i32 to index
        %get3A_427 = arith.index_cast %multiple_of3A_402 : i32 to index
        %get3A_428 = tpu.vector_load %arg5[%get3A_425, %get3A_426, %get3A_427] {strides = array<i32>} : memref<2x16x2048xf32, #tpu.memory_space<vmem>>, vector<1x1x16xf32>,
        %get3A_429 = vector.shape_cast %get3A_428 : vector<1x1x16xf32> to vector<16xf32>
        %mul3A_430 = arith.mulf %get3A_169, %get3A_429 : vector<16xf32>
        %get3A_431 = arith.constant 4 : i32
        %get3A_432 = arith.index_cast %rem3A_100 : i32 to index
        %get3A_433 = arith.index_cast %get3A_431 : i32 to index
        %get3A_434 = arith.index_cast %multiple_of3A_402 : i32 to index
        %get3A_435 = tpu.vector_load %arg5[%get3A_432, %get3A_433, %get3A_434] {strides = array<i32>} : memref<2x16x2048xf32, #tpu.memory_space<vmem>>, vector<1x1x16xf32>,
        %get3A_436 = vector.shape_cast %get3A_435 : vector<1x1x16xf32> to vector<16xf32>
        %mul3A_437 = arith.mulf %get3A_175, %get3A_436 : vector<16xf32>
        %get3A_438 = arith.constant 5 : i32
        %get3A_439 = arith.index_cast %rem3A_100 : i32 to index
        %get3A_440 = arith.index_cast %get3A_438 : i32 to index
        %get3A_441 = arith.index_cast %multiple_of3A_402 : i32 to index
        %get3A_442 = tpu.vector_load %arg5[%get3A_439, %get3A_440, %get3A_441] {strides = array<i32>} : memref<2x16x2048xf32, #tpu.memory_space<vmem>>, vector<1x1x16xf32>,
        %get3A_443 = vector.shape_cast %get3A_442 : vector<1x1x16xf32> to vector<16xf32>
        %mul3A_444 = arith.mulf %get3A_181, %get3A_443 : vector<16xf32>
        %get3A_445 = arith.constant 6 : i32
        %get3A_446 = arith.index_cast %rem3A_100 : i32 to index
        %get3A_447 = arith.index_cast %get3A_445 : i32 to index
        %get3A_448 = arith.index_cast %multiple_of3A_402 : i32 to index
        %get3A_449 = tpu.vector_load %arg5[%get3A_446, %get3A_447, %get3A_448] {strides = array<i32>} : memref<2x16x2048xf32, #tpu.memory_space<vmem>>, vector<1x1x16xf32>,
        %get3A_450 = vector.shape_cast %get3A_449 : vector<1x1x16xf32> to vector<16xf32>
        %mul3A_451 = arith.mulf %get3A_187, %get3A_450 : vector<16xf32>
        %get3A_452 = arith.constant 7 : i32
        %get3A_453 = arith.index_cast %rem3A_100 : i32 to index
        %get3A_454 = arith.index_cast %get3A_452 : i32 to index
        %get3A_455 = arith.index_cast %multiple_of3A_402 : i32 to index
        %get3A_456 = tpu.vector_load %arg5[%get3A_453, %get3A_454, %get3A_455] {strides = array<i32>} : memref<2x16x2048xf32, #tpu.memory_space<vmem>>, vector<1x1x16xf32>,
        %get3A_457 = vector.shape_cast %get3A_456 : vector<1x1x16xf32> to vector<16xf32>
        %mul3A_458 = arith.mulf %get3A_193, %get3A_457 : vector<16xf32>
        %get3A_459 = arith.constant 8 : i32
        %get3A_460 = arith.index_cast %rem3A_100 : i32 to index
        %get3A_461 = arith.index_cast %get3A_459 : i32 to index
        %get3A_462 = arith.index_cast %multiple_of3A_402 : i32 to index
        %get3A_463 = tpu.vector_load %arg5[%get3A_460, %get3A_461, %get3A_462] {strides = array<i32>} : memref<2x16x2048xf32, #tpu.memory_space<vmem>>, vector<1x1x16xf32>,
        %get3A_464 = vector.shape_cast %get3A_463 : vector<1x1x16xf32> to vector<16xf32>
        %mul3A_465 = arith.mulf %get3A_199, %get3A_464 : vector<16xf32>
        %get3A_466 = arith.constant 9 : i32
        %get3A_467 = arith.index_cast %rem3A_100 : i32 to index
        %get3A_468 = arith.index_cast %get3A_466 : i32 to index
        %get3A_469 = arith.index_cast %multiple_of3A_402 : i32 to index
        %get3A_470 = tpu.vector_load %arg5[%get3A_467, %get3A_468, %get3A_469] {strides = array<i32>} : memref<2x16x2048xf32, #tpu.memory_space<vmem>>, vector<1x1x16xf32>,
        %get3A_471 = vector.shape_cast %get3A_470 : vector<1x1x16xf32> to vector<16xf32>
        %mul3A_472 = arith.mulf %get3A_205, %get3A_471 : vector<16xf32>
        %get3A_473 = arith.constant 10 : i32
        %get3A_474 = arith.index_cast %rem3A_100 : i32 to index
        %get3A_475 = arith.index_cast %get3A_473 : i32 to index
        %get3A_476 = arith.index_cast %multiple_of3A_402 : i32 to index
        %get3A_477 = tpu.vector_load %arg5[%get3A_474, %get3A_475, %get3A_476] {strides = array<i32>} : memref<2x16x2048xf32, #tpu.memory_space<vmem>>, vector<1x1x16xf32>,
        %get3A_478 = vector.shape_cast %get3A_477 : vector<1x1x16xf32> to vector<16xf32>
        %mul3A_479 = arith.mulf %get3A_211, %get3A_478 : vector<16xf32>
        %get3A_480 = arith.constant 11 : i32
        %get3A_481 = arith.index_cast %rem3A_100 : i32 to index
        %get3A_482 = arith.index_cast %get3A_480 : i32 to index
        %get3A_483 = arith.index_cast %multiple_of3A_402 : i32 to index
        %get3A_484 = tpu.vector_load %arg5[%get3A_481, %get3A_482, %get3A_483] {strides = array<i32>} : memref<2x16x2048xf32, #tpu.memory_space<vmem>>, vector<1x1x16xf32>,
        %get3A_485 = vector.shape_cast %get3A_484 : vector<1x1x16xf32> to vector<16xf32>
        %mul3A_486 = arith.mulf %get3A_217, %get3A_485 : vector<16xf32>
        %get3A_487 = arith.constant 12 : i32
        %get3A_488 = arith.index_cast %rem3A_100 : i32 to index
        %get3A_489 = arith.index_cast %get3A_487 : i32 to index
        %get3A_490 = arith.index_cast %multiple_of3A_402 : i32 to index
        %get3A_491 = tpu.vector_load %arg5[%get3A_488, %get3A_489, %get3A_490] {strides = array<i32>} : memref<2x16x2048xf32, #tpu.memory_space<vmem>>, vector<1x1x16xf32>,
        %get3A_492 = vector.shape_cast %get3A_491 : vector<1x1x16xf32> to vector<16xf32>
        %mul3A_493 = arith.mulf %get3A_223, %get3A_492 : vector<16xf32>
        %get3A_494 = arith.constant 13 : i32
        %get3A_495 = arith.index_cast %rem3A_100 : i32 to index
        %get3A_496 = arith.index_cast %get3A_494 : i32 to index
        %get3A_497 = arith.index_cast %multiple_of3A_402 : i32 to index
        %get3A_498 = tpu.vector_load %arg5[%get3A_495, %get3A_496, %get3A_497] {strides = array<i32>} : memref<2x16x2048xf32, #tpu.memory_space<vmem>>, vector<1x1x16xf32>,
        %get3A_499 = vector.shape_cast %get3A_498 : vector<1x1x16xf32> to vector<16xf32>
        %mul3A_500 = arith.mulf %get3A_229, %get3A_499 : vector<16xf32>
        %get3A_501 = arith.constant 14 : i32
        %get3A_502 = arith.index_cast %rem3A_100 : i32 to index
        %get3A_503 = arith.index_cast %get3A_501 : i32 to index
        %get3A_504 = arith.index_cast %multiple_of3A_402 : i32 to index
        %get3A_505 = tpu.vector_load %arg5[%get3A_502, %get3A_503, %get3A_504] {strides = array<i32>} : memref<2x16x2048xf32, #tpu.memory_space<vmem>>, vector<1x1x16xf32>,
        %get3A_506 = vector.shape_cast %get3A_505 : vector<1x1x16xf32> to vector<16xf32>
        %mul3A_507 = arith.mulf %get3A_235, %get3A_506 : vector<16xf32>
        %get3A_508 = arith.constant 15 : i32
        %get3A_509 = arith.index_cast %rem3A_100 : i32 to index
        %get3A_510 = arith.index_cast %get3A_508 : i32 to index
        %get3A_511 = arith.index_cast %multiple_of3A_402 : i32 to index
        %get3A_512 = tpu.vector_load %arg5[%get3A_509, %get3A_510, %get3A_511] {strides = array<i32>} : memref<2x16x2048xf32, #tpu.memory_space<vmem>>, vector<1x1x16xf32>,
        %get3A_513 = vector.shape_cast %get3A_512 : vector<1x1x16xf32> to vector<16xf32>
        %mul3A_514 = arith.mulf %get3A_241, %get3A_513 : vector<16xf32>
        %add3A_515 = arith.addf %mul3A_409, %mul3A_416 : vector<16xf32>
        %add3A_516 = arith.addf %mul3A_423, %mul3A_430 : vector<16xf32>
        %add3A_517 = arith.addf %mul3A_437, %mul3A_444 : vector<16xf32>
        %add3A_518 = arith.addf %mul3A_451, %mul3A_458 : vector<16xf32>
        %add3A_519 = arith.addf %mul3A_465, %mul3A_472 : vector<16xf32>
        %add3A_520 = arith.addf %mul3A_479, %mul3A_486 : vector<16xf32>
        %add3A_521 = arith.addf %mul3A_493, %mul3A_500 : vector<16xf32>
        %add3A_522 = arith.addf %mul3A_507, %mul3A_514 : vector<16xf32>
        %add3A_523 = arith.addf %add3A_515, %add3A_516 : vector<16xf32>
        %add3A_524 = arith.addf %add3A_517, %add3A_518 : vector<16xf32>
        %add3A_525 = arith.addf %add3A_519, %add3A_520 : vector<16xf32>
        %add3A_526 = arith.addf %add3A_521, %add3A_522 : vector<16xf32>
        %add3A_527 = arith.addf %add3A_523, %add3A_524 : vector<16xf32>
        %add3A_528 = arith.addf %add3A_525, %add3A_526 : vector<16xf32>
        %add3A_529 = arith.addf %add3A_527, %add3A_528 : vector<16xf32>
        %swap3A_530 = arith.index_cast %rem3A_102 : i32 to index
        %swap3A_531 = arith.index_cast %multiple_of3A_402 : i32 to index
        %swap3A_532 = tpu.vector_load %arg7[%swap3A_530, %swap3A_531] {strides = array<i32>} : memref<2x2048xf32, #tpu.memory_space<vmem>>, vector<1x16xf32>,
        %swap3A_533 = vector.shape_cast %swap3A_532 : vector<1x16xf32> to vector<16xf32>
        %swap3A_534 = vector.shape_cast %add3A_529 : vector<16xf32> to vector<1x16xf32>
        tpu.vector_store %arg7[%swap3A_530, %swap3A_531], %swap3A_534 {strides = array<i32>} : memref<2x2048xf32, #tpu.memory_space<vmem>>, vector<1x16xf32>,
      }
      %scan3A_247 = arith.constant 64 : i32
      %add3A_248 = arith.addi %mul3A_22, %scan3A_98 : i32
      %dma_start3A_249 = arith.constant 0 : i32
      %dma_start3A_250 = tpu.memref_slice %arg7[%rem3A_102, %dma_start3A_249] : memref<2x2048xf32, #tpu.memory_space<vmem>> -> memref<1x2048xf32, #tpu.memory_space<vmem>>
      %dma_start3A_251 = tpu.memref_squeeze %dma_start3A_250 : memref<1x2048xf32, #tpu.memory_space<vmem>> -> memref<2048xf32, #tpu.memory_space<vmem>>
      %dma_start3A_252 = tpu.memref_slice %arg4[%add3A_248, %multiple_of3A] : memref<100x16384xf32, #tpu.memory_space<hbm>> -> memref<1x2048xf32, #tpu.memory_space<hbm>>
      %dma_start3A_253 = tpu.memref_squeeze %dma_start3A_252 : memref<1x2048xf32, #tpu.memory_space<hbm>> -> memref<2048xf32, #tpu.memory_space<hbm>>
      %dma_start3A_254 = tpu.memref_slice %arg10[%rem3A_102] : memref<2x!tpu.dma_semaphore, #tpu.memory_space<semaphore_mem>> -> memref<1x!tpu.dma_semaphore, #tpu.memory_space<semaphore_mem>>
      %dma_start3A_255 = tpu.memref_squeeze %dma_start3A_254 : memref<1x!tpu.dma_semaphore, #tpu.memory_space<semaphore_mem>> -> memref<!tpu.dma_semaphore, #tpu.memory_space<semaphore_mem>>
      %dma_start3A_256 = tpu.memref_slice %arg4[%add3A_248, %multiple_of3A] : memref<100x16384xf32, #tpu.memory_space<hbm>> -> memref<1x2048xf32, #tpu.memory_space<hbm>>
      %dma_start3A_257 = tpu.memref_squeeze %dma_start3A_256 : memref<1x2048xf32, #tpu.memory_space<hbm>> -> memref<2048xf32, #tpu.memory_space<hbm>>
      %dma_start3A_258 = arith.constant 0 : i32
      %dma_start3A_259 = tpu.memref_slice %arg7[%rem3A_102, %dma_start3A_258] : memref<2x2048xf32, #tpu.memory_space<vmem>> -> memref<1x2048xf32, #tpu.memory_space<vmem>>
      %dma_start3A_260 = tpu.memref_squeeze %dma_start3A_259 : memref<1x2048xf32, #tpu.memory_space<vmem>> -> memref<2048xf32, #tpu.memory_space<vmem>>
      tpu.enqueue_dma source(%dma_start3A_260 : memref<2048xf32, #tpu.memory_space<vmem>>) target(%dma_start3A_257 : memref<2048xf32, #tpu.memory_space<hbm>>) target_semaphore(%dma_start3A_255 : memref<!tpu.dma_semaphore, #tpu.memory_space<semaphore_mem>>)
    }
    %scan3A_66 = arith.constant 20 : i32
    %add3A_67 = arith.constant 18 : i32
    %add3A_68 = arith.addi %mul3A_22, %add3A_67 : i32
    %dma_wait3A = arith.constant 0 : i32
    %dma_wait3A_69 = arith.constant 0 : i32
    %dma_wait3A_70 = arith.constant 0 : i32
    %dma_wait3A_71 = tpu.memref_slice %arg7[%dma_wait3A, %dma_wait3A_70] : memref<2x2048xf32, #tpu.memory_space<vmem>> -> memref<1x2048xf32, #tpu.memory_space<vmem>>
    %dma_wait3A_72 = tpu.memref_squeeze %dma_wait3A_71 : memref<1x2048xf32, #tpu.memory_space<vmem>> -> memref<2048xf32, #tpu.memory_space<vmem>>
    %dma_wait3A_73 = tpu.memref_slice %arg4[%add3A_68, %multiple_of3A] : memref<100x16384xf32, #tpu.memory_space<hbm>> -> memref<1x2048xf32, #tpu.memory_space<hbm>>
    %dma_wait3A_74 = tpu.memref_squeeze %dma_wait3A_73 : memref<1x2048xf32, #tpu.memory_space<hbm>> -> memref<2048xf32, #tpu.memory_space<hbm>>
    %dma_wait3A_75 = tpu.memref_slice %arg10[%dma_wait3A_69] : memref<2x!tpu.dma_semaphore, #tpu.memory_space<semaphore_mem>> -> memref<1x!tpu.dma_semaphore, #tpu.memory_space<semaphore_mem>>
    %dma_wait3A_76 = tpu.memref_squeeze %dma_wait3A_75 : memref<1x!tpu.dma_semaphore, #tpu.memory_space<semaphore_mem>> -> memref<!tpu.dma_semaphore, #tpu.memory_space<semaphore_mem>>
    %dma_wait3A_77 = tpu.memref_slice %arg4[%add3A_68, %multiple_of3A] : memref<100x16384xf32, #tpu.memory_space<hbm>> -> memref<1x2048xf32, #tpu.memory_space<hbm>>
    %dma_wait3A_78 = tpu.memref_squeeze %dma_wait3A_77 : memref<1x2048xf32, #tpu.memory_space<hbm>> -> memref<2048xf32, #tpu.memory_space<hbm>>
    %dma_wait3A_79 = arith.constant 0 : i32
    %dma_wait3A_80 = tpu.memref_slice %arg7[%dma_wait3A, %dma_wait3A_79] : memref<2x2048xf32, #tpu.memory_space<vmem>> -> memref<1x2048xf32, #tpu.memory_space<vmem>>
    %dma_wait3A_81 = tpu.memref_squeeze %dma_wait3A_80 : memref<1x2048xf32, #tpu.memory_space<vmem>> -> memref<2048xf32, #tpu.memory_space<vmem>>
    tpu.wait_dma2 semaphore(%dma_wait3A_76 : memref<!tpu.dma_semaphore, #tpu.memory_space<semaphore_mem>>) src(%dma_wait3A_81 : memref<2048xf32, #tpu.memory_space<vmem>>) dst(%dma_wait3A_78 : memref<2048xf32, #tpu.memory_space<hbm>>)
    %add3A_82 = arith.constant 19 : i32
    %add3A_83 = arith.addi %mul3A_22, %add3A_82 : i32
    %dma_wait3A_84 = arith.constant 1 : i32
    %dma_wait3A_85 = arith.constant 1 : i32
    %dma_wait3A_86 = arith.constant 0 : i32
    %dma_wait3A_87 = tpu.memref_slice %arg7[%dma_wait3A_84, %dma_wait3A_86] : memref<2x2048xf32, #tpu.memory_space<vmem>> -> memref<1x2048xf32, #tpu.memory_space<vmem>>
    %dma_wait3A_88 = tpu.memref_squeeze %dma_wait3A_87 : memref<1x2048xf32, #tpu.memory_space<vmem>> -> memref<2048xf32, #tpu.memory_space<vmem>>
    %dma_wait3A_89 = tpu.memref_slice %arg4[%add3A_83, %multiple_of3A] : memref<100x16384xf32, #tpu.memory_space<hbm>> -> memref<1x2048xf32, #tpu.memory_space<hbm>>
    %dma_wait3A_90 = tpu.memref_squeeze %dma_wait3A_89 : memref<1x2048xf32, #tpu.memory_space<hbm>> -> memref<2048xf32, #tpu.memory_space<hbm>>
    %dma_wait3A_91 = tpu.memref_slice %arg10[%dma_wait3A_85] : memref<2x!tpu.dma_semaphore, #tpu.memory_space<semaphore_mem>> -> memref<1x!tpu.dma_semaphore, #tpu.memory_space<semaphore_mem>>
    %dma_wait3A_92 = tpu.memref_squeeze %dma_wait3A_91 : memref<1x!tpu.dma_semaphore, #tpu.memory_space<semaphore_mem>> -> memref<!tpu.dma_semaphore, #tpu.memory_space<semaphore_mem>>
    %dma_wait3A_93 = tpu.memref_slice %arg4[%add3A_83, %multiple_of3A] : memref<100x16384xf32, #tpu.memory_space<hbm>> -> memref<1x2048xf32, #tpu.memory_space<hbm>>
    %dma_wait3A_94 = tpu.memref_squeeze %dma_wait3A_93 : memref<1x2048xf32, #tpu.memory_space<hbm>> -> memref<2048xf32, #tpu.memory_space<hbm>>
    %dma_wait3A_95 = arith.constant 0 : i32
    %dma_wait3A_96 = tpu.memref_slice %arg7[%dma_wait3A_84, %dma_wait3A_95] : memref<2x2048xf32, #tpu.memory_space<vmem>> -> memref<1x2048xf32, #tpu.memory_space<vmem>>
    %dma_wait3A_97 = tpu.memref_squeeze %dma_wait3A_96 : memref<1x2048xf32, #tpu.memory_space<vmem>> -> memref<2048xf32, #tpu.memory_space<vmem>>
    tpu.wait_dma2 semaphore(%dma_wait3A_92 : memref<!tpu.dma_semaphore, #tpu.memory_space<semaphore_mem>>) src(%dma_wait3A_97 : memref<2048xf32, #tpu.memory_space<vmem>>) dst(%dma_wait3A_94 : memref<2048xf32, #tpu.memory_space<hbm>>)
    return
  }
}

module attributes {stable_mosaic.version = 14 : i64} {
  func.func @_body_combine(%arg0: i32, %arg1: memref<100x2048xf32, #tpu.memory_space<vmem>>, %arg2: memref<100x2048xf32, #tpu.memory_space<vmem>>, %arg3: memref<100x2048xi8, #tpu.memory_space<vmem>>, %arg4: memref<100x2048xf32, #tpu.memory_space<vmem>>) attributes {dimension_semantics = [#tpu.dimension_semantics<arbitrary>], iteration_bounds = array<i64: 8>, scalar_prefetch = 0 : i64, scratch_operands = 0 : i64, tpu.core_type = #tpu.core_type<tc>, window_params = [{transform_indices = @transform_0, window_bounds = array<i64: 100, 2048>}, {transform_indices = @transform_1, window_bounds = array<i64: 100, 2048>}, {transform_indices = @transform_2, window_bounds = array<i64: 100, 2048>}, {transform_indices = @transform_3, window_bounds = array<i64: 100, 2048>}]} {
    %iota3A = tpu.iota {dimensions = array<i32: 0>} : vector<100x2048xi32>
    %get3A = arith.constant 0 : index
    %get3A_0 = arith.constant 0 : index
    %get3A_1 = vector.load %arg1[%get3A, %get3A_0] : memref<100x2048xf32, #tpu.memory_space<vmem>>, vector<100x2048xf32>
    %lt3A = arith.constant 80 : i32
    %lt3A_2 = vector.broadcast %lt3A : i32 to vector<100x2048xi32>
    %lt3A_3 = arith.cmpi slt, %iota3A, %lt3A_2 : vector<100x2048xi32>
    %get3A_4 = arith.constant 0 : index
    %get3A_5 = arith.constant 0 : index
    %get3A_6 = vector.load %arg2[%get3A_4, %get3A_5] : memref<100x2048xf32, #tpu.memory_space<vmem>>, vector<100x2048xf32>
    %jit3A = arith.constant 0.000000e+00 : f32
    %broadcast_in_dim3A = vector.broadcast %jit3A : f32 to vector<100x2048xf32>
    %select_n3A = arith.select %lt3A_3, %get3A_6, %broadcast_in_dim3A : vector<100x2048xi1>, vector<100x2048xf32>
    %add3A = arith.addf %get3A_1, %select_n3A : vector<100x2048xf32>
    %get3A_7 = arith.constant 0 : index
    %get3A_8 = arith.constant 0 : index
    %get3A_9 = vector.load %arg3[%get3A_7, %get3A_8] : memref<100x2048xi8, #tpu.memory_space<vmem>>, vector<100x2048xi8>
    %ne3A = arith.constant 0 : i8
    %ne3A_10 = vector.broadcast %ne3A : i8 to vector<100x2048xi8>
    %ne3A_11 = arith.cmpi ne, %get3A_9, %ne3A_10 : vector<100x2048xi8>
    %jit3A_12 = arith.constant -1.000000e+20 : f32
    %broadcast_in_dim3A_13 = vector.broadcast %jit3A_12 : f32 to vector<100x2048xf32>
    %select_n3A_14 = arith.select %ne3A_11, %add3A, %broadcast_in_dim3A_13 : vector<100x2048xi1>, vector<100x2048xf32>
    %swap3A = arith.constant 0 : index
    %swap3A_15 = arith.constant 0 : index
    %swap3A_16 = vector.load %arg4[%swap3A, %swap3A_15] : memref<100x2048xf32, #tpu.memory_space<vmem>>, vector<100x2048xf32>
    tpu.vector_store %arg4[%swap3A, %swap3A_15], %select_n3A_14 {strides = array<i32>} : memref<100x2048xf32, #tpu.memory_space<vmem>>, vector<100x2048xf32>,
    return
  }
  func.func @transform_0(%arg0: i32) -> (i32, i32) {
    %c0_i32 = arith.constant 0 : i32
    %c0_i32_0 = arith.constant 0 : i32
    return %c0_i32, %arg0 : i32, i32
  }
  func.func @transform_1(%arg0: i32) -> (i32, i32) {
    %c0_i32 = arith.constant 0 : i32
    %c0_i32_0 = arith.constant 0 : i32
    return %c0_i32, %arg0 : i32, i32
  }
  func.func @transform_2(%arg0: i32) -> (i32, i32) {
    %c0_i32 = arith.constant 0 : i32
    %c0_i32_0 = arith.constant 0 : i32
    return %c0_i32, %arg0 : i32, i32
  }
  func.func @transform_3(%arg0: i32) -> (i32, i32) {
    %c0_i32 = arith.constant 0 : i32
    %c0_i32_0 = arith.constant 0 : i32
    return %c0_i32, %arg0 : i32, i32
  }
}

module attributes {stable_mosaic.version = 14 : i64} {
  func.func @_body_xu(%arg0: i32, %arg1: memref<1000x512xf32, #tpu.memory_space<vmem>>, %arg2: memref<100x16x512xf32, #tpu.memory_space<vmem>>, %arg3: memref<20x16x512xf32, #tpu.memory_space<vmem>>, %arg4: memref<16x1000xf32, #tpu.memory_space<vmem>>, %arg5: memref<20x16x1xf32, #tpu.memory_space<vmem>>, %arg6: memref<100x1600xf32, #tpu.memory_space<vmem>>, %arg7: memref<100x320xf32, #tpu.memory_space<vmem>>, %arg8: memref<100x512xf32, #tpu.memory_space<vmem>>) attributes {dimension_semantics = [#tpu.dimension_semantics<arbitrary>], iteration_bounds = array<i64: 32>, scalar_prefetch = 0 : i64, scratch_operands = 0 : i64, tpu.core_type = #tpu.core_type<tc>, window_params = [{transform_indices = @transform_0, window_bounds = array<i64: 1000, 512>}, {transform_indices = @transform_1, window_bounds = array<i64: 100, 16, 512>}, {transform_indices = @transform_2, window_bounds = array<i64: 20, 16, 512>}, {pipeline_mode = #tpu.pipeline_mode<synchronous>, transform_indices = @transform_3, window_bounds = array<i64: 16, 1000>}, {pipeline_mode = #tpu.pipeline_mode<synchronous>, transform_indices = @transform_4, window_bounds = array<i64: 20, 16, 1>}, {pipeline_mode = #tpu.pipeline_mode<synchronous>, transform_indices = @transform_5, window_bounds = array<i64: 100, 1600>}, {pipeline_mode = #tpu.pipeline_mode<synchronous>, transform_indices = @transform_6, window_bounds = array<i64: 100, 320>}, {transform_indices = @transform_7, window_bounds = array<i64: 100, 512>}]} {
    %get3A = arith.constant 0 : index
    %get3A_0 = arith.constant 0 : index
    %get3A_1 = vector.load %arg4[%get3A, %get3A_0] : memref<16x1000xf32, #tpu.memory_space<vmem>>, vector<16x1000xf32>
    %get3A_2 = arith.constant 0 : index
    %get3A_3 = arith.constant 0 : index
    %get3A_4 = vector.load %arg1[%get3A_2, %get3A_3] : memref<1000x512xf32, #tpu.memory_space<vmem>>, vector<1000x512xf32>
    %dot_general3A = arith.constant dense<0.000000e+00> : vector<16x512xf32>
    %dot_general3A_5 = tpu.matmul %get3A_1, %get3A_4, %dot_general3A {dimension_numbers = #tpu.dot_dimension_numbers<[1], [0], [0], [1], [0, 0, 1, 1], [], []>, transpose_lhs_hint = false} : vector<16x1000xf32>, vector<1000x512xf32>, vector<16x512xf32> -> vector<16x512xf32>
    %get3A_6 = arith.constant 0 : index
    %get3A_7 = arith.constant 0 : index
    %get3A_8 = arith.constant 0 : index
    %get3A_9 = vector.load %arg2[%get3A_6, %get3A_7, %get3A_8] : memref<100x16x512xf32, #tpu.memory_space<vmem>>, vector<100x16x512xf32>
    %broadcast_in_dim3A = vector.shape_cast %dot_general3A_5 : vector<16x512xf32> to vector<1x16x512xf32>
    %mul3A = vector.broadcast %broadcast_in_dim3A : vector<1x16x512xf32> to vector<100x16x512xf32>
    %mul3A_10 = arith.mulf %get3A_9, %mul3A : vector<100x16x512xf32>
    %get3A_11 = arith.constant 0 : index
    %get3A_12 = arith.constant 0 : index
    %get3A_13 = arith.constant 0 : index
    %get3A_14 = vector.load %arg3[%get3A_11, %get3A_12, %get3A_13] : memref<20x16x512xf32, #tpu.memory_space<vmem>>, vector<20x16x512xf32>
    %get3A_15 = arith.constant 0 : index
    %get3A_16 = arith.constant 0 : index
    %get3A_17 = arith.constant 0 : index
    %get3A_18 = vector.load %arg5[%get3A_15, %get3A_16, %get3A_17] : memref<20x16x1xf32, #tpu.memory_space<vmem>>, vector<20x16x1xf32>
    %mul3A_19 = vector.broadcast %get3A_18 : vector<20x16x1xf32> to vector<20x16x512xf32>
    %mul3A_20 = arith.mulf %get3A_14, %mul3A_19 : vector<20x16x512xf32>
    %get3A_21 = arith.constant 0 : index
    %get3A_22 = arith.constant 0 : index
    %get3A_23 = vector.load %arg6[%get3A_21, %get3A_22] : memref<100x1600xf32, #tpu.memory_space<vmem>>, vector<100x1600xf32>
    %reshape3A = vector.shape_cast %mul3A_10 : vector<100x16x512xf32> to vector<1600x512xf32>
    %dot_general3A_24 = arith.constant dense<0.000000e+00> : vector<100x512xf32>
    %dot_general3A_25 = tpu.matmul %get3A_23, %reshape3A, %dot_general3A_24 {dimension_numbers = #tpu.dot_dimension_numbers<[1], [0], [0], [1], [0, 0, 1, 1], [], []>, transpose_lhs_hint = false} : vector<100x1600xf32>, vector<1600x512xf32>, vector<100x512xf32> -> vector<100x512xf32>
    %get3A_26 = arith.constant 0 : index
    %get3A_27 = arith.constant 0 : index
    %get3A_28 = vector.load %arg7[%get3A_26, %get3A_27] : memref<100x320xf32, #tpu.memory_space<vmem>>, vector<100x320xf32>
    %reshape3A_29 = vector.shape_cast %mul3A_20 : vector<20x16x512xf32> to vector<320x512xf32>
    %dot_general3A_30 = arith.constant dense<0.000000e+00> : vector<100x512xf32>
    %dot_general3A_31 = tpu.matmul %get3A_28, %reshape3A_29, %dot_general3A_30 {dimension_numbers = #tpu.dot_dimension_numbers<[1], [0], [0], [1], [0, 0, 1, 1], [], []>, transpose_lhs_hint = false} : vector<100x320xf32>, vector<320x512xf32>, vector<100x512xf32> -> vector<100x512xf32>
    %add3A = arith.addf %dot_general3A_25, %dot_general3A_31 : vector<100x512xf32>
    %swap3A = arith.constant 0 : index
    %swap3A_32 = arith.constant 0 : index
    %swap3A_33 = vector.load %arg8[%swap3A, %swap3A_32] : memref<100x512xf32, #tpu.memory_space<vmem>>, vector<100x512xf32>
    tpu.vector_store %arg8[%swap3A, %swap3A_32], %add3A {strides = array<i32>} : memref<100x512xf32, #tpu.memory_space<vmem>>, vector<100x512xf32>,
    return
  }
  func.func @transform_0(%arg0: i32) -> (i32, i32) {
    %c0_i32 = arith.constant 0 : i32
    %c0_i32_0 = arith.constant 0 : i32
    return %c0_i32, %arg0 : i32, i32
  }
  func.func @transform_1(%arg0: i32) -> (i32, i32, i32) {
    %c0_i32 = arith.constant 0 : i32
    %c0_i32_0 = arith.constant 0 : i32
    %c0_i32_1 = arith.constant 0 : i32
    return %c0_i32, %c0_i32_0, %arg0 : i32, i32, i32
  }
  func.func @transform_2(%arg0: i32) -> (i32, i32, i32) {
    %c4_i32 = arith.constant 4 : i32
    %c0_i32 = arith.constant 0 : i32
    %c0_i32_0 = arith.constant 0 : i32
    return %c4_i32, %c0_i32, %arg0 : i32, i32, i32
  }
  func.func @transform_3(%arg0: i32) -> (i32, i32) {
    %c0_i32 = arith.constant 0 : i32
    %c0_i32_0 = arith.constant 0 : i32
    %c0_i32_1 = arith.constant 0 : i32
    return %c0_i32, %c0_i32_0 : i32, i32
  }
  func.func @transform_4(%arg0: i32) -> (i32, i32, i32) {
    %c0_i32 = arith.constant 0 : i32
    %c0_i32_0 = arith.constant 0 : i32
    %c0_i32_1 = arith.constant 0 : i32
    %c0_i32_2 = arith.constant 0 : i32
    return %c0_i32, %c0_i32_0, %c0_i32_1 : i32, i32, i32
  }
  func.func @transform_5(%arg0: i32) -> (i32, i32) {
    %c0_i32 = arith.constant 0 : i32
    %c0_i32_0 = arith.constant 0 : i32
    %c0_i32_1 = arith.constant 0 : i32
    return %c0_i32, %c0_i32_0 : i32, i32
  }
  func.func @transform_6(%arg0: i32) -> (i32, i32) {
    %c0_i32 = arith.constant 0 : i32
    %c0_i32_0 = arith.constant 0 : i32
    %c0_i32_1 = arith.constant 0 : i32
    return %c0_i32, %c0_i32_0 : i32, i32
  }
  func.func @transform_7(%arg0: i32) -> (i32, i32) {
    %c0_i32 = arith.constant 0 : i32
    %c0_i32_0 = arith.constant 0 : i32
    return %c0_i32, %arg0 : i32, i32
  }
}

</mosaic_0001>

<sc_bundles>
// kernel: kernel.5.cloned.1.call-start
scs
__scs_entry_jumppad:
0x0: {  	(pc) =	sbr.rel $0x88, $3  }
0x1: {  	(tag) =	ssettag $0x0;
	lr =	simm.s32 $0x1  }
0x2: {  	[smem:$0x3F9B] =	sst lr;
	_ =	strace $0xD0000000  }
0x3: {  	_ = 	snop  }
0x4: {  	_ = 	snop  }
0x5: {  	_ = 	snop  }
0x6: {  	_ = 	snop  }
0x7: {  	_ = 	snop  }
__scs_overlays_trampoline_lowered:
0x8: {  	[smem:$0x3FAA] =	sst s0  }
0x9: {  	[smem:$0x3FAB] =	sst s1  }
0xa: {  	[smem:$0x3FAC] =	sst s2  }
0xb: {  	[smem:$0x3FAD] =	sst s3  }
0xc: {  	[smem:$0x3FAE] =	sst s4  }
0xd: {  	[smem:$0x3FAF] =	sst s5  }
0xe: {  	[smem:$0x3FB0] =	sst s6  }
0xf: {  	[smem:$0x3FB1] =	sst s7  }
0x10: {  	[smem:$0x3FB2] =	sst s8  }
0x11: {  	[smem:$0x3FB3] =	sst s9;
	s0 =	simm.s32 @!p0 $0x0  }
0x12: {  	s1 =	sld [smem:$0x3F99];
	s0 =	simm.s32 @p0 $0x1  }
0x13: {  	[smem:$0x3FB4] =	sst s0;
	s0 =	simm.s32 @!p1 $0x0  }
0x14: {  	s2 =	sld [smem:$0x3F98];
	s0 =	simm.s32 @p1 $0x1  }
0x15: {  	[smem:$0x3FB5] =	sst s0;
	s0 =	simm.s32 @!p2 $0x0  }
0x16: {  	s3 =	sld [smem:$0x3FDB];
	s0 =	simm.s32 @p2 $0x1  }
0x17: {  	s4 =	simm.s32 $0x1BF5;
	[smem:$0x3FB7] =	sst s0  }
0x18: {  	s0 =	sld [smem:$0x3F9A];
	_ =	swait.ge [sflag:s4], $0x0  }
0x19: {  	s7 =	sld [smem:$0x3F9B]  }
0x1a: {  	s8 =	sadd.s32 $0xFFFFE003, lr  }
0x1b: {  	s9 =	sadd.s32 $0xFFFFFEF7, lr;
	s5 =	simm.s32 $0xFFFFFFFF;
	p2 =	slt.u32 s8, $0xFFFFF086  }
0x1c: {  	p1 =	slt.u32 s9, $0xF7A;
	s5 =	simm.s32 @!p2 $0x0  }
0x1d: {  	s5 =	simm.s32 @p1 $0x1;
	p0 =	seq.s32 s7, s2  }
0x1e: {  	s7 =	smul.u32 @!p0 $0xF7A, s2;
	p2 =	seq.s32 @!p0 s5, $0x0  }
0x1f: {  	s9 =	smul.u32 $0xF7A, s1;
	s8 =	simm.s32 @!p0 $0x1BF5;
	p2 =	por !p2, p0  }
0x20: {  	[sflag:s8] =	ssyncset.s32 @!p0 $0xFFFFF086;
	s6 =	sadd.s32 @!p0 s3, s7;
	s7 =	simm.s32 @!p0 $0x108  }
0x21: {  	s3 =	sadd.s32 s3, s9;
	s6 =	sadd.s32 @!p0 $0x88, s6;
	s7 =	simm.s32 @p2 $0x1082  }
0x22: {  	[simem:s7], [sflag:s8] =	dma.local @!p0 [hbm:s6], $0xF7A  }
0x23: {  	s9 =	sor.u32 $0xD0000000, s2;
	s6 =	simm.s32 $0x108;
	_ =	swait.ge @!p0 [sflag:s8], $0x0  }
0x24: {  	s3 =	sadd.s32 $0x88, s3;
	s6 =	simm.s32 @!p1 $0x1082;
	[sflag:s4] =	ssyncset.s32 $0xFFFFF086  }
0x25: {  	[simem:s6], [sflag:s4] =	dma.local [hbm:s3], $0xF7A  }
0x26: {  	[smem:$0x3F9B] =	sst s1;
	(tag) =	ssettag s2;
	_ =	strace s9  }
0x27: {  	s1 =	sld [smem:$0x3FAB]  }
0x28: {  	s2 =	sld [smem:$0x3FAC]  }
0x29: {  	s4 =	sld [smem:$0x3FAE]  }
0x2a: {  	p0 =	seq.s32 s5, $0x0;
	s5 =	sld [smem:$0x3FAF]  }
0x2b: {  	s6 =	sld [smem:$0x3FB0]  }
0x2c: {  	s7 =	sld [smem:$0x3FB1]  }
0x2d: {  	s3 =	simm.s32 $0x108;
	s8 =	sld [smem:$0x3FB2]  }
0x2e: {  	s3 =	simm.s32 @!p0 $0x1082;
	s9 =	sld [smem:$0x3FB3]  }
0x2f: {  	lr =	sadd.s32 s0, s3;
	s0 =	sld [smem:$0x3FAA]  }
0x30: {  	s3 =	sld [smem:$0x3FAD]  }
0x31: {  	[smem:$0x3FB6] =	sst s10  }
0x32: {  	s10 =	sld [smem:$0x3FB4];
	_ =	sdelay $0x3  }
0x33: {  	p0 =	seq.s32 s10, $0x1;
	s10 =	sld [smem:$0x3FB6];
	_ =	sdelay $0x3  }
0x34: {  	[smem:$0x3FB6] =	sst s10  }
0x35: {  	s10 =	sld [smem:$0x3FB5];
	_ =	sdelay $0x3  }
0x36: {  	p1 =	seq.s32 s10, $0x1;
	s10 =	sld [smem:$0x3FB6];
	_ =	sdelay $0x3  }
0x37: {  	[smem:$0x3FB6] =	sst s10  }
0x38: {  	s10 =	sld [smem:$0x3FB7]  }
0x39: {  	_ = 	snop;
	(pc) =	sbr.ind lr, $3  }
0x3a: {  	_ = 	snop  }
0x3b: {  	_ = 	snop  }
0x3c: {  	p2 =	seq.s32 s10, $0x1;
	s10 =	sld [smem:$0x3FB6]  }
0x3d: {  	_ =	shalt  }
0x3e: {  	_ =	shalt  }
0x3f: {  	_ =	shalt  }
0x40: {  	_ =	shalt  }
0x41: {  	_ =	shalt  }
0x42: {  	_ =	shalt  }
0x43: {  	_ =	shalt  }
0x44: {  	_ =	shalt  }
0x45: {  	_ =	shalt  }
0x46: {  	_ =	shalt  }
0x47: {  	_ =	shalt  }
0x48: {  	_ =	shalt  }
0x49: {  	_ =	shalt  }
0x4a: {  	_ =	shalt  }
0x4b: {  	_ =	shalt  }
0x4c: {  	_ =	shalt  }
0x4d: {  	_ =	shalt  }
0x4e: {  	_ =	shalt  }
0x4f: {  	_ =	shalt  }
0x50: {  	_ =	shalt  }
0x51: {  	_ =	shalt  }
0x52: {  	_ =	shalt  }
0x53: {  	_ =	shalt  }
0x54: {  	_ =	shalt  }
0x55: {  	_ =	shalt  }
0x56: {  	_ =	shalt  }
0x57: {  	_ =	shalt  }
0x58: {  	_ =	shalt  }
0x59: {  	_ =	shalt  }
0x5a: {  	_ =	shalt  }
0x5b: {  	_ =	shalt  }
0x5c: {  	_ =	shalt  }
0x5d: {  	_ =	shalt  }
0x5e: {  	_ =	shalt  }
0x5f: {  	_ =	shalt  }
0x60: {  	_ =	shalt  }
0x61: {  	_ =	shalt  }
0x62: {  	_ =	shalt  }
0x63: {  	_ =	shalt  }
0x64: {  	_ =	shalt  }
0x65: {  	_ =	shalt  }
0x66: {  	_ =	shalt  }
0x67: {  	_ =	shalt  }
0x68: {  	_ =	shalt  }
0x69: {  	_ =	shalt  }
0x6a: {  	_ =	shalt  }
0x6b: {  	_ =	shalt  }
0x6c: {  	_ =	shalt  }
0x6d: {  	_ =	shalt  }
0x6e: {  	_ =	shalt  }
0x6f: {  	_ =	shalt  }
0x70: {  	_ =	shalt  }
0x71: {  	_ =	shalt  }
0x72: {  	_ =	shalt  }
0x73: {  	_ =	shalt  }
0x74: {  	_ =	shalt  }
0x75: {  	_ =	shalt  }
0x76: {  	_ =	shalt  }
0x77: {  	_ =	shalt  }
0x78: {  	_ =	shalt  }
0x79: {  	_ =	shalt  }
0x7a: {  	_ =	shalt  }
0x7b: {  	_ =	shalt  }
0x7c: {  	_ =	shalt  }
0x7d: {  	_ =	shalt  }
0x7e: {  	_ =	shalt  }
0x7f: {  	_ =	shalt  }
0x80: {  	_ =	shalt  }
0x81: {  	_ =	shalt  }
0x82: {  	_ =	shalt  }
0x83: {  	_ =	shalt  }
0x84: {  	_ =	shalt  }
0x85: {  	_ =	shalt  }
0x86: {  	_ =	shalt  }
0x87: {  	_ =	shalt  }
.Lfunc_end0:
.L_simem_size_0:
called_computation_lowered:
.L_overlay_start_0:
0x88: {  	s2 =	sld [smem:$0x3FD9]  }
0x89: {  	s3 =	sld [smem:$0x3FFE];
	_ =	sdelay $0x1  }
0x8a: {  	s1 =	srdreg.scid  }
0x8b: {  	s0 =	sand.u32 $0x1, s1  }
0x8c: {  	s17 =	sshll.u32 s0, $0xA;
	s2 =	sadd.s32 s3, s2  }
0x8d: {  	s2 =	sadd.s32 s2, s17  }
0x8e: {  	[smem:$0x3FC2] =	sst s2  }
0x8f: {  	_ = 	snop  }
0x90: {  	s2 =	sld [smem:$0x3FC8]  }
0x91: {  	s18 =	sld [smem:$0x3FD0];
	(tm) =	ssettm $0x1  }
0x92: {  	s4 =	sld [smem:$0x3FFB];
	_ =	sdelay $0x3  }
0x93: {  	_ =	strace s4  }
0x94: {  	s4 =	sld [smem:$0x3FFC];
	_ =	sdelay $0x3  }
0x95: {  	_ =	strace s4  }
0x96: {  	s4 =	sld [smem:$0x3FFD];
	_ =	sdelay $0x3  }
0x97: {  	_ =	strace s4  }
0x98: {  	_ =	strace $0x8FFFFFFF  }
0x99: {  	s19 =	sld [smem:$0x3FDB];
	_ =	sdelay $0x1  }
0x9a: {  	s5 =	simm.s32 $_scs_section_size  }
0x9b: {  	s6 =	simm.s32 $_size__tile_overlayer_lowered;
	s7 =	simm.s32 $_tile_overlayer_lowered  }
0x9c: {  	s22 =	simm.s32 $0x1BFF;
	s21 =	sshll.u32 s7, $0x1;
	s4 =	sadd.s32 s5, s19  }
0x9d: {  	s8 =	simm.s32 $0x0;
	s20 =	sshll.u32 s6, $0x1;
	s6 =	sadd.s32 s21, s4  }
0x9e: {  	[timem:s8], [sflag:s22] =	dma.local [hbm:s6], s20  }
0x9f: {  	_ =	swait.ge [sflag:s22], s20  }
0xa0: {  	s5 =	ssub.s32 $0x0, s20;
	[sflag:s22] =	ssyncset.done $0x0  }
0xa1: {  	[sflag:s22] =	ssyncadd.s32 s5;
	_ =	sdelay $0x1  }
0xa2: {  	s23 =	simm.s32 $0x1B8B  }
0xa3: {  	_ =	swait.ge [sflag:s23], $0x1  }
0xa4: {  	[sflag:s23] =	ssyncset.done $0x0  }
0xa5: {  	s25 =	simm.s32 $0x1B8E;
	s24 =	sld [smem:$0x3FFE];
	[sflag:s23] =	ssyncadd.s32 $0xFFFFFFFF  }
0xa6: {  	s26 =	simm.s32 $execute0_lowered;
	[smem:$0x3FD2] =	sst s25  }
0xa7: {  	s6 =	sshll.u32 s26, $0x1;
	_ =	strace $0x80000046;
	[dreg:$0x1] =	wrdreg $0xFFFFFFFF  }
0xa8: {  	s28 =	simm.s32 $_size_execute0_lowered;
	s4 =	sadd.s32 s4, s6;
	[dreg:$0x0] =	wrdreg $0x0  }
0xa9: {  	s6 =	sshll.u32 s28, $0x1;
	[dreg:$0x2] =	wrdreg s4  }
0xaa: {  	[dreg:$0x3] =	wrdreg s6  }
0xab: {  	[dreg:$0x4] =	wrdreg $0xC0  }
0xac: {  	_ =	task [dreg:s8], $0x5FFFF  }
0xad: {  	[dreg:$0x1] =	wrdreg $0xFFFFFFFF  }
0xae: {  	[dreg:$0x0] =	wrdreg $0x60  }
0xaf: {  	[dreg:$0x2] =	wrdreg s2  }
0xb0: {  	[dreg:$0x3] =	wrdreg s24  }
0xb1: {  	[dreg:$0x4] =	wrdreg s18  }
0xb2: {  	[dreg:$0x5] =	wrdreg $0x9  }
0xb3: {  	_ =	task.clear_ibuf [dreg:s8], $0x6FFFF;
	_ =	strace $0x90000046  }
0xb4: {  	s29 =	simm.s32 $0x9;
	_ =	strace $0x80000048  }
0xb5: {  	_ =	swait.ge [sflag:s29], $0x1  }
0xb6: {  	[sflag:s29] =	ssyncadd.s32 $0xFFFFFFFF  }
0xb7: {  	_ =	strace $0x90000048  }
0xb8: {  	_ =	sfence  }
0xb9: {  	s30 =	sld [smem:$0x0];
	_ =	sdelay $0x2  }
0xba: {  	s31 =	sshll.u32 s1, $0xD;
	s1 =	sshrl.u32 s1, $0x2  }
0xbb: {  	s3 =	sand.u32 $0x4000, s31;
	s1 =	sadd.s32 s1, s30  }
0xbc: {  	s0 =	sor.u32 s3, s0;
	s1 =	sshll.u32 s1, $0x11  }
0xbd: {  	s0 =	sor.u32 s1, s0  }
0xbe: {  	s0 =	sadd.s32 $0x8F2B, s0  }
0xbf: {  	[sflag:s0] =	ssyncadd.remote.s32 $0x1  }
0xc0: {  	_ =	sfence.sel $0xFFFF  }
0xc1: {  	[dreg:$0x0] =	wrdreg $0xFFFFFFFF;
	(pc) =	sbr.abs _section_cstart, $3  }
0xc2: {  	[dreg:$0x1] =	wrdreg $0xFFFFFFFF  }
0xc3: {  	_ =	task.clear_ibuf [dreg:s8], $0x2FFFF;
	_ =	strace $0x9FFFFFFF  }
0xc4: {  	(tm) =	ssettm $0x7FFFFFFF  }
0xc5: {  	_ =	shalt  }
tec
execute0_lowered:
.L_overlay_start_1:
0x0: {  	(tag) =	ssettag $0x1  }
0x1: {  	s1 =	rddreg [dreg:$0x0]  }
0x2: {  	s5 =	rddreg [dreg:$0x1]  }
0x3: {  	s3 =	rddreg [dreg:$0x2];
	s4 =	simm.s32 $0x0  }
0x4: {  	s0 =	stileid.u32;
	s6 =	srdreg.scid;
	s12 =	simm.s32 $0x20000  }
0x5: {  	s13 =	simm.s32 $0x10000;
	s14 =	simm.s32 $0x5;
	s15 =	simm.s32 $0x6  }
0x6: {  	s16 =	simm.s32 $0x0;
	[smem:$0x7FF] =	sst s4;
	s7 =	sshll.u32 s0, $0x1  }
0x7: {  	s6 =	sand.u32 $0x1, s6;
	s8 =	sshrl.u32 s0, $0x2;
	s7 =	sand.u32 $0x6, s7  }
0x8: {  	s5 =	sadd.s32 $0xC00, s5;
	s9 =	smul.u32 $0x500000, s8;
	s7 =	sor.u32 s6, s7  }
0x9: {  	_ =	strace $0x80000047;
	s10 =	ssub.s32 $0x2, s6;
	s6 =	sshll.u32 s7, $0xE  }
0xa: {  	s11 =	smul.u32 $0x1400, s8;
	s30 =	sshrl.u32 s10, $0x1;
	s9 =	sor.u32 s9, s6  }
0xb: {  	s10 =	ssub.s32 s10, s30;
	s7 =	smul.u32 $0x14, s8;
	s31 =	sshrl.u32 s9, $0x3  }
0xc: {  	s10 =	smax.u32 s10, $0x1;
	s9 =	sadd.s32 s5, s11;
	s8 =	sadd.s32 s1, s31  }
.LBB2_1:
0xd: {  	s0 =	simm.s32 $0x4000  }
0xe: {  	[tilespmem:s4], [sflag:$0x1] =	stream.strided.gather [hbm4b:s8+s0], $0x8000, s12, s0, $0x38;
	[tilespmem:$0x12000] =	vst v63  }
0xf: {  	s17 =	simm.s32 $0x0  }
0x10: {  	[tilespmem:s13], [sflag:$0x3] =	stream.linear.gather [hbm4b:s9+s4], $0x800, $0x38;
	[tilespmem:$0x12000] =	vst v63  }
.LBB2_2:
0x11: {  	s23 =	smov.u32 s17  }
0x12: {  	s17 =	sadd.s32 $0x1, s17;
	p0 =	seq.s32 s23, $0x13  }
0x13: {  	s19 =	sadd.s32 @!p0 s7, s17  }
0x14: {  	s20 =	sand.u32 @!p0 $0x1, s17;
	s18 =	sshll.u32 @!p0 s19, $0x12  }
0x15: {  	s24 =	simm.s32 @!p0 $0x4000;
	s25 =	simm.s32 @!p0 $0x20000;
	s18 =	sor.u32 @!p0 s6, s18  }
0x16: {  	s21 =	sshll.u32 @!p0 s20, $0xF;
	s19 =	sshll.u32 @!p0 s19, $0x8;
	s18 =	sshrl.u32 @!p0 s18, $0x3  }
0x17: {  	s22 =	sadd.s32 @!p0 $0x1, s20;
	s19 =	sadd.s32 @!p0 s5, s19;
	s18 =	sadd.s32 @!p0 s1, s18  }
0x18: {  	[tilespmem:s21], [sflag:s22] =	stream.strided.gather @!p0 [hbm4b:s18+s24], $0x8000, s25, s24, $0x38;
	[tilespmem:$0x12000] =	vst v63  }
0x19: {  	s21 =	sshll.u32 @!p0 s20, $0xB;
	s18 =	sand.u32 $0x1, s23;
	s20 =	sadd.s32 @!p0 $0x3, s20  }
0x1a: {  	s22 =	simm.s32 @!p0 $0x0;
	s21 =	sor.u32 @!p0 $0x10000, s21;
	s26 =	sadd.s32 $0x1, s18  }
0x1b: {  	[tilespmem:s21], [sflag:s20] =	stream.linear.gather @!p0 [hbm4b:s19+s22], $0x800, $0x38;
	[tilespmem:$0x12000] =	vst v63  }
0x1c: {  	_ =	swait.ge [sflag:s26], $0x8000  }
0x1d: {  	[sflag:s26] =	ssyncset.done $0x0  }
0x1e: {  	s29 =	sadd.s32 $0x3, s18;
	[sflag:s26] =	ssyncadd.s32 $0xFFFF8000  }
0x1f: {  	_ =	swait.ge [sflag:s29], $0x800  }
0x20: {  	p0 =	slt.u32 s23, $0x2;
	[sflag:s29] =	ssyncset.done $0x0  }
0x21: {  	s19 =	sadd.s32 @!p0 $0x5, s18;
	[sflag:s29] =	ssyncadd.s32 $0xFFFFF800  }
0x22: {  	_ =	swait.ge @!p0 [sflag:s19], $0x800  }
0x23: {  	[sflag:s19] =	ssyncset.done @!p0 $0x0  }
0x24: {  	s31 =	sshll.u32 s18, $0xB;
	[sflag:s19] =	ssyncadd.s32 @!p0 $0xFFFFF800  }
0x25: {  	v0 =	vld [tilespmem:s31+$0x10000]  }
0x26: {  	v2 =	vld [tilespmem:s31+$0x10080]  }
0x27: {  	v4 =	vld [tilespmem:s31+$0x10100]  }
0x28: {  	v5 =	vld [tilespmem:s31+$0x10180]  }
0x29: {  	v1 =	vld [tilespmem:s31+$0x10200]  }
0x2a: {  	v6 =	vld [tilespmem:s31+$0x10280]  }
0x2b: {  	v7 =	vld [tilespmem:s31+$0x10300]  }
0x2c: {  	v3 =	vld [tilespmem:s31+$0x10380]  }
0x2d: {  	v8 =	vld [tilespmem:s31+$0x10400]  }
0x2e: {  	v9 =	vld [tilespmem:s31+$0x10480]  }
0x2f: {  	v12 =	vld [tilespmem:s31+$0x10500]  }
0x30: {  	v11 =	vld [tilespmem:s31+$0x10580]  }
0x31: {  	s20 =	simm.s32 $0x0;
	v14 =	vld [tilespmem:s31+$0x10600]  }
0x32: {  	s22 =	sshll.u32 s18, $0xF;
	s0 =	sand.u32 $0x3C00, s20;
	v10 =	vld [tilespmem:s31+$0x10680]  }
0x33: {  	s25 =	sadd.s32 s0, s22;
	s26 =	sand.u32 $0x60, s20;
	v15 =	vld [tilespmem:s31+$0x10700]  }
0x34: {  	s2 =	sadd.s32 s26, s25;
	v13 =	vld [tilespmem:s31+$0x10780]  }
0x35: {  	v16 =	vld [tilespmem:s2+$0x300]  }
0x36: {  	v17 =	vld [tilespmem:s2+$0x380]  }
0x37: {  	v18 =	vld [tilespmem:s2+$0x280]  }
0x38: {  	v19 =	vld [tilespmem:s2+$0x200]  }
0x39: {  	v20 =	vld [tilespmem:s2+$0x180]  }
0x3a: {  	v21 =	vld [tilespmem:s2+$0x100]  }
0x3b: {  	s29 =	sadd.s32 $0x4000, s25;
	v22 =	vld [tilespmem:s2+$0x0]  }
0x3c: {  	s11 =	sadd.s32 s26, s29;
	v23 =	vld [tilespmem:s2+$0x80]  }
0x3d: {  	v24 =	vld [tilespmem:s11+$0x380]  }
0x3e: {  	v25 =	vld [tilespmem:s11+$0x100]  }
0x3f: {  	v27 =	vld [tilespmem:s11+$0x280]  }
0x40: {  	v28 =	vld [tilespmem:s11+$0x80]  }
0x41: {  	v29 =	vld [tilespmem:s11+$0x300];
	v18 =	vmul.f32 v18, v6;
	v23 =	vmul.f32 v23, v2  }
0x42: {  	v30 =	vld [tilespmem:s11+$0x200];
	v24 =	vmul.f32 v24, v13;
	v22 =	vmul.f32 v22, v0  }
0x43: {  	v26 =	vld [tilespmem:s11+$0x180];
	v21 =	vmul.f32 v21, v4;
	v20 =	vmul.f32 v20, v5  }
0x44: {  	v31 =	vld [tilespmem:s11+$0x0];
	v19 =	vmul.f32 v19, v1;
	v25 =	vmul.f32 v25, v12  }
0x45: {  	v27 =	vmul.f32 v27, v10;
	v16 =	vmul.f32 v16, v7  }
0x46: {  	v17 =	vmul.f32 v17, v3;
	v59 =	vmul.f32 v28, v9  }
0x47: {  	v60 =	vmul.f32 v29, v15;
	v61 =	vmul.f32 v30, v14  }
0x48: {  	v20 =	vadd.f32 v20, v21;
	v18 =	vadd.f32 v18, v19;
	v19 =	vmul.f32 v26, v11  }
0x49: {  	v16 =	vadd.f32 v17, v16;
	v17 =	vmul.f32 v31, v8;
	v22 =	vadd.f32 v23, v22  }
0x4a: {  	v62 =	vadd.f32 v24, v60;
	v63 =	vadd.f32 v27, v61  }
0x4b: {  	v19 =	vadd.f32 v19, v25;
	v17 =	vadd.f32 v59, v17  }
0x4c: {  	v16 =	vadd.f32 v16, v18;
	v18 =	vadd.f32 v20, v22  }
0x4d: {  	v17 =	vadd.f32 v19, v17;
	v19 =	vadd.f32 v62, v63  }
0x4e: {  	s31 =	sshll.u32 s23, $0x7  }
0x4f: {  	s19 =	sand.u32 $0x80, s31;
	v16 =	vadd.f32 v16, v18;
	v17 =	vadd.f32 v19, v17  }
0x50: {  	s24 =	sshrl.u32 s0, $0x2;
	s21 =	sor.u32 $0x11000, s19  }
0x51: {  	s24 =	sadd.s32 s24, s21;
	v16 =	vadd.f32 v17, v16  }
0x52: {  	s28 =	sor.u32 $0x10, s26;
	s30 =	sadd.s32 s26, s24  }
0x53: {  	[tilespmem:s30+$0x0] =	vst v16;
	s30 =	sadd.s32 s28, s29  }
0x54: {  	s23 =	sadd.s32 s7, s23;
	s26 =	simm.s32 $0x100;
	s24 =	sadd.s32 s28, s24;
	v16 =	vld [tilespmem:s30+$0x380]  }
.LBB2_3:
0x55: {  	p0 =	sne.s32 s26, $0x3F00  }
0x56: {  	v17 =	vld [tilespmem:s30+$0x200];
	s20 =	sadd.s32 $0x20, s20;
	s29 =	smov.u32 s26;
	s26 =	sadd.s32 $0x100, s26  }
0x57: {  	v18 =	vld [tilespmem:s30+$0x180]  }
0x58: {  	v19 =	vld [tilespmem:s30+$0x100]  }
0x59: {  	v20 =	vld [tilespmem:s30+$0x300]  }
0x5a: {  	v21 =	vld [tilespmem:s30+$0x80]  }
0x5b: {  	v22 =	vld [tilespmem:s30+$0x0];
	v17 =	vmul.f32 v17, v14  }
0x5c: {  	s25 =	sadd.s32 s28, s25;
	v23 =	vld [tilespmem:s30+$0x280]  }
0x5d: {  	v24 =	vld [tilespmem:s25+$0x280];
	v19 =	vmul.f32 v19, v12  }
0x5e: {  	v25 =	vld [tilespmem:s25+$0x180];
	v20 =	vmul.f32 v20, v15  }
0x5f: {  	v18 =	vmul.f32 v18, v11;
	v26 =	vld [tilespmem:s25+$0x300]  }
0x60: {  	v21 =	vmul.f32 v21, v9;
	v27 =	vld [tilespmem:s25+$0x380];
	v22 =	vmul.f32 v22, v8  }
0x61: {  	v16 =	vmul.f32 v16, v13;
	v28 =	vld [tilespmem:s25+$0x100]  }
0x62: {  	v18 =	vadd.f32 v18, v19;
	v29 =	vld [tilespmem:s25+$0x80];
	v21 =	vadd.f32 v21, v22  }
0x63: {  	v16 =	vadd.f32 v16, v20;
	v22 =	vmul.f32 v23, v10;
	v19 =	vld [tilespmem:s25+$0x0]  }
0x64: {  	v23 =	vmul.f32 v24, v6;
	v20 =	vld [tilespmem:s25+$0x200];
	v18 =	vadd.f32 v18, v21  }
0x65: {  	v21 =	vmul.f32 v26, v7;
	v17 =	vadd.f32 v22, v17  }
0x66: {  	v24 =	vmul.f32 v25, v5;
	v22 =	vmul.f32 v28, v4  }
0x67: {  	v16 =	vadd.f32 v16, v17;
	v25 =	vmul.f32 v29, v2  }
0x68: {  	v17 =	vmul.f32 v19, v0;
	v19 =	vmul.f32 v27, v3;
	v22 =	vadd.f32 v24, v22  }
0x69: {  	v16 =	vadd.f32 v16, v18;
	v20 =	vmul.f32 v20, v1  }
0x6a: {  	v17 =	vadd.f32 v25, v17;
	v18 =	vadd.f32 v19, v21  }
0x6b: {  	v19 =	vadd.f32 v23, v20  }
0x6c: {  	v17 =	vadd.f32 v22, v17  }
0x6d: {  	v18 =	vadd.f32 v18, v19;
	_ =	sdelay $0x1  }
0x6e: {  	v17 =	vadd.f32 v18, v17;
	_ =	sdelay $0x1  }
0x6f: {  	s28 =	sand.u32 $0x3C00, s29;
	v16 =	vadd.f32 v16, v17  }
0x70: {  	s31 =	sand.u32 $0x60, s20;
	s25 =	sadd.s32 s28, s22;
	s28 =	sshrl.u32 s28, $0x2  }
0x71: {  	s0 =	sadd.s32 s31, s25;
	s29 =	sadd.s32 $0x4000, s25;
	s2 =	sadd.s32 s28, s21;
	[tilespmem:s24+$0x0] =	vst v16  }
0x72: {  	s28 =	sor.u32 $0x10, s31;
	s11 =	sadd.s32 s31, s29;
	s30 =	sadd.s32 s31, s2;
	v16 =	vld [tilespmem:s0+$0x300]  }
0x73: {  	s24 =	sadd.s32 s28, s2;
	v17 =	vld [tilespmem:s0+$0x380]  }
0x74: {  	v18 =	vld [tilespmem:s0+$0x280]  }
0x75: {  	v19 =	vld [tilespmem:s0+$0x200]  }
0x76: {  	v20 =	vld [tilespmem:s0+$0x180]  }
0x77: {  	v21 =	vld [tilespmem:s0+$0x100]  }
0x78: {  	v22 =	vld [tilespmem:s0+$0x0]  }
0x79: {  	v23 =	vld [tilespmem:s0+$0x80];
	v18 =	vmul.f32 v18, v6  }
0x7a: {  	v24 =	vld [tilespmem:s11+$0x380]  }
0x7b: {  	v25 =	vld [tilespmem:s11+$0x100]  }
0x7c: {  	v26 =	vld [tilespmem:s11+$0x180]  }
0x7d: {  	v27 =	vld [tilespmem:s11+$0x280]  }
0x7e: {  	v23 =	vmul.f32 v23, v2;
	v28 =	vld [tilespmem:s11+$0x80]  }
0x7f: {  	v29 =	vld [tilespmem:s11+$0x300];
	v24 =	vmul.f32 v24, v13  }
0x80: {  	v21 =	vmul.f32 v21, v4;
	v22 =	vmul.f32 v22, v0;
	v30 =	vld [tilespmem:s11+$0x200]  }
0x81: {  	v19 =	vmul.f32 v19, v1;
	v20 =	vmul.f32 v20, v5;
	v31 =	vld [tilespmem:s11+$0x0]  }
0x82: {  	v25 =	vmul.f32 v25, v12;
	v27 =	vmul.f32 v27, v10  }
0x83: {  	v16 =	vmul.f32 v16, v7;
	v17 =	vmul.f32 v17, v3;
	v20 =	vadd.f32 v20, v21  }
0x84: {  	v18 =	vadd.f32 v18, v19;
	v21 =	vmul.f32 v28, v9;
	v28 =	vmul.f32 v29, v15  }
0x85: {  	v16 =	vadd.f32 v17, v16;
	v19 =	vmul.f32 v26, v11;
	v26 =	vmul.f32 v30, v14  }
0x86: {  	v22 =	vadd.f32 v23, v22;
	v17 =	vmul.f32 v31, v8;
	v23 =	vadd.f32 v24, v28  }
0x87: {  	v19 =	vadd.f32 v19, v25;
	v24 =	vadd.f32 v27, v26  }
0x88: {  	v16 =	vadd.f32 v16, v18;
	v17 =	vadd.f32 v21, v17  }
0x89: {  	v18 =	vadd.f32 v20, v22  }
0x8a: {  	v17 =	vadd.f32 v19, v17;
	v19 =	vadd.f32 v23, v24;
	_ =	sdelay $0x1  }
0x8b: {  	v16 =	vadd.f32 v16, v18;
	v17 =	vadd.f32 v19, v17  }
.Ltmp0:
0x8c: {  	(pc) =	sbr.rel @p0 .LBB2_3-.Ltmp0, $3  }
0x8d: {  	v16 =	vadd.f32 v17, v16;
	_ =	sdelay $0x1  }
0x8e: {  	[tilespmem:s30+$0x0] =	vst v16;
	s30 =	sadd.s32 s28, s29  }
0x8f: {  	v16 =	vld [tilespmem:s30+$0x380]  }
0x90: {  	v17 =	vld [tilespmem:s30+$0x200]  }
0x91: {  	v18 =	vld [tilespmem:s30+$0x180]  }
0x92: {  	v19 =	vld [tilespmem:s30+$0x100]  }
0x93: {  	v20 =	vld [tilespmem:s30+$0x300]  }
0x94: {  	v21 =	vld [tilespmem:s30+$0x80]  }
0x95: {  	v22 =	vld [tilespmem:s30+$0x0]  }
0x96: {  	s0 =	sadd.s32 s28, s25;
	v23 =	vld [tilespmem:s30+$0x280]  }
0x97: {  	v24 =	vld [tilespmem:s0+$0x280]  }
0x98: {  	v25 =	vld [tilespmem:s0+$0x180]  }
0x99: {  	v26 =	vld [tilespmem:s0+$0x300]  }
0x9a: {  	v28 =	vld [tilespmem:s0+$0x100]  }
0x9b: {  	v55 =	vld [tilespmem:s0+$0x80];
	v13 =	vmul.f32 v16, v13;
	v14 =	vmul.f32 v17, v14  }
0x9c: {  	v56 =	vld [tilespmem:s0+$0x0];
	v12 =	vmul.f32 v19, v12;
	v15 =	vmul.f32 v20, v15  }
0x9d: {  	v27 =	vld [tilespmem:s0+$0x380];
	v11 =	vmul.f32 v18, v11;
	v8 =	vmul.f32 v22, v8  }
0x9e: {  	v57 =	vld [tilespmem:s0+$0x200];
	v9 =	vmul.f32 v21, v9;
	v10 =	vmul.f32 v23, v10  }
0x9f: {  	v6 =	vmul.f32 v24, v6;
	v7 =	vmul.f32 v26, v7  }
0xa0: {  	v4 =	vmul.f32 v28, v4;
	v5 =	vmul.f32 v25, v5  }
0xa1: {  	v2 =	vmul.f32 v55, v2;
	v0 =	vmul.f32 v56, v0  }
0xa2: {  	v3 =	vmul.f32 v27, v3;
	v8 =	vadd.f32 v9, v8;
	v58 =	vadd.f32 v11, v12  }
0xa3: {  	v1 =	vmul.f32 v57, v1;
	v59 =	vadd.f32 v13, v15;
	v10 =	vadd.f32 v10, v14  }
0xa4: {  	v4 =	vadd.f32 v5, v4;
	v0 =	vadd.f32 v2, v0  }
0xa5: {  	v60 =	vadd.f32 v3, v7;
	v1 =	vadd.f32 v6, v1  }
0xa6: {  	v61 =	vadd.f32 v58, v8;
	v62 =	vadd.f32 v59, v10  }
0xa7: {  	v0 =	vadd.f32 v4, v0;
	v1 =	vadd.f32 v60, v1  }
0xa8: {  	s25 =	sshll.u32 s23, $0x7;
	s2 =	sshll.u32 s23, $0xE  }
0xa9: {  	s0 =	sand.u32 $0x380, s25;
	s2 =	sand.u32 $0x1E0000, s2;
	v63 =	vadd.f32 v62, v61;
	v0 =	vadd.f32 v1, v0  }
0xaa: {  	s0 =	sor.u32 s2, s0  }
0xab: {  	s0 =	sor.u32 s6, s0;
	v0 =	vadd.f32 v63, v0  }
0xac: {  	s0 =	sshrl.u32 s0, $0x3  }
0xad: {  	s2 =	sadd.s32 $0x5, s18;
	s0 =	sadd.s32 s3, s0;
	[tilespmem:s24+$0x0] =	vst v0  }
0xae: {  	[hbm4b:s0+s4] =	stream.linear.scatter [tilespmem:s21], [sflag:s2], $0x80, $0x38;
	[tilespmem:$0x12000] =	vst v63  }
0xaf: {  	s11 =	sor.u32 $0x11100, s19;
	s26 =	sadd.s32 $0x80, s0  }
0xb0: {  	[hbm4b:s26+s4] =	stream.linear.scatter [tilespmem:s11], [sflag:s2], $0x80, $0x38;
	[tilespmem:$0x12000] =	vst v63  }
0xb1: {  	s28 =	sor.u32 $0x11200, s19;
	s29 =	sadd.s32 $0x100, s0  }
0xb2: {  	[hbm4b:s29+s4] =	stream.linear.scatter [tilespmem:s28], [sflag:s2], $0x80, $0x38;
	[tilespmem:$0x12000] =	vst v63  }
0xb3: {  	s30 =	sor.u32 $0x11300, s19;
	s31 =	sadd.s32 $0x180, s0  }
0xb4: {  	[hbm4b:s31+s4] =	stream.linear.scatter [tilespmem:s30], [sflag:s2], $0x80, $0x38;
	[tilespmem:$0x12000] =	vst v63  }
0xb5: {  	s18 =	sor.u32 $0x11400, s19;
	s20 =	sadd.s32 $0x200, s0  }
0xb6: {  	[hbm4b:s20+s4] =	stream.linear.scatter [tilespmem:s18], [sflag:s2], $0x80, $0x38;
	[tilespmem:$0x12000] =	vst v63  }
0xb7: {  	s22 =	sadd.s32 $0x280, s0;
	s21 =	sor.u32 $0x11500, s19  }
0xb8: {  	[hbm4b:s22+s4] =	stream.linear.scatter [tilespmem:s21], [sflag:s2], $0x80, $0x38;
	[tilespmem:$0x12000] =	vst v63  }
0xb9: {  	s23 =	sor.u32 $0x11600, s19;
	s24 =	sadd.s32 $0x300, s0  }
0xba: {  	[hbm4b:s24+s4] =	stream.linear.scatter [tilespmem:s23], [sflag:s2], $0x80, $0x38;
	[tilespmem:$0x12000] =	vst v63  }
0xbb: {  	s25 =	sor.u32 $0x11700, s19;
	s26 =	sadd.s32 $0x380, s0  }
0xbc: {  	[hbm4b:s26+s4] =	stream.linear.scatter [tilespmem:s25], [sflag:s2], $0x80, $0x38;
	[tilespmem:$0x12000] =	vst v63  }
0xbd: {  	s28 =	sor.u32 $0x11800, s19;
	s29 =	sadd.s32 $0x400, s0  }
0xbe: {  	[hbm4b:s29+s4] =	stream.linear.scatter [tilespmem:s28], [sflag:s2], $0x80, $0x38;
	[tilespmem:$0x12000] =	vst v63  }
0xbf: {  	s30 =	sor.u32 $0x11900, s19;
	s31 =	sadd.s32 $0x480, s0  }
0xc0: {  	[hbm4b:s31+s4] =	stream.linear.scatter [tilespmem:s30], [sflag:s2], $0x80, $0x38;
	[tilespmem:$0x12000] =	vst v63  }
0xc1: {  	s20 =	sor.u32 $0x11A00, s19;
	s21 =	sadd.s32 $0x500, s0  }
0xc2: {  	[hbm4b:s21+s4] =	stream.linear.scatter [tilespmem:s20], [sflag:s2], $0x80, $0x38;
	[tilespmem:$0x12000] =	vst v63  }
0xc3: {  	s22 =	sor.u32 $0x11B00, s19;
	s23 =	sadd.s32 $0x580, s0  }
0xc4: {  	[hbm4b:s23+s4] =	stream.linear.scatter [tilespmem:s22], [sflag:s2], $0x80, $0x38;
	[tilespmem:$0x12000] =	vst v63  }
0xc5: {  	s24 =	sor.u32 $0x11C00, s19;
	s25 =	sadd.s32 $0x600, s0  }
0xc6: {  	[hbm4b:s25+s4] =	stream.linear.scatter [tilespmem:s24], [sflag:s2], $0x80, $0x38;
	[tilespmem:$0x12000] =	vst v63  }
0xc7: {  	p0 =	sne.s32 s17, $0x14;
	s26 =	sor.u32 $0x11D00, s19;
	s28 =	sadd.s32 $0x680, s0  }
0xc8: {  	[hbm4b:s28+s4] =	stream.linear.scatter [tilespmem:s26], [sflag:s2], $0x80, $0x38;
	[tilespmem:$0x12000] =	vst v63  }
.Ltmp1:
0xc9: {  	_ = 	snop;
	(pc) =	sbr.rel @p0 .LBB2_2-.Ltmp1, $4  }
0xca: {  	s29 =	sor.u32 $0x11E00, s19;
	s30 =	sadd.s32 $0x700, s0  }
0xcb: {  	[hbm4b:s30+s4] =	stream.linear.scatter [tilespmem:s29], [sflag:s2], $0x80, $0x38;
	[tilespmem:$0x12000] =	vst v63  }
0xcc: {  	s31 =	sor.u32 $0x11F00, s19;
	s0 =	sadd.s32 $0x780, s0  }
0xcd: {  	[hbm4b:s0+s4] =	stream.linear.scatter [tilespmem:s31], [sflag:s2], $0x80, $0x38;
	[tilespmem:$0x12000] =	vst v63  }
0xce: {  	s16 =	sadd.s32 $0x1, s16  }
0xcf: {  	_ =	swait.ge [sflag:s14], $0x800;
	p0 =	sne.s32 s16, s10  }
.Ltmp2:
0xd0: {  	[sflag:s14] =	ssyncset.done $0x0;
	(pc) =	sbr.rel @p0 .LBB2_1-.Ltmp2, $4  }
0xd1: {  	[sflag:s14] =	ssyncadd.s32 $0xFFFFF800  }
0xd2: {  	_ =	swait.ge [sflag:s15], $0x800  }
0xd3: {  	[sflag:s15] =	ssyncset.done $0x0  }
0xd4: {  	[sflag:s15] =	ssyncadd.s32 $0xFFFFF800  }
0xd5: {  	_ =	sfence.sel $0x180000  }
0xd6: {  	[bflag:$0x0] =	sbarrier.arrive $0xFFFF  }
0xd7: {  	_ =	strace $0x90000047  }
0xd8: {  	s0 =	stileid.u32;
	[bflag:$0x2] =	sbarrier.arrive $0xFFFF  }
0xd9: {  	p0 =	sne.s32 s0, $0x0;
	s0 =	rddreg [dreg:$0x3]  }
0xda: {  	s0 =	sadd.s32 @!p0 $0x100000, s0  }
0xdb: {  	[sflag:s0] =	ssyncadd.tile.s32 @!p0 $0x1;
	_ =	shalt  }
.Lfunc_end2:
_tile_overlayer_lowered:
.L_overlay_start_2:
0xdc: {  	(tag) =	ssettag $0x2  }
0xdd: {  	s0 =	rddreg [dreg:$0x0];
	s2 =	stileid.u32  }
0xde: {  	s1 =	rddreg [dreg:$0x1];
	p0 =	sne.s32 s2, $0x0  }
0xdf: {  	s3 =	rddreg [dreg:$0x2];
	[bflag:$0x3] =	sbarrier.arrive $0xFFFF;
	s2 =	simm.s32 @!p0 $0x1C07  }
0xe0: {  	[timem:s3], [sflag:s2] =	dma.local @!p0 [hbm:s0], s1  }
0xe1: {  	s0 =	simm.s32 @!p0 $0x7  }
0xe2: {  	_ =	swait.ge @!p0 [sflag:s0], s1  }
0xe3: {  	s1 =	ssub.s32 @!p0 $0x0, s1;
	[sflag:s0] =	ssyncset.done @!p0 $0x0  }
0xe4: {  	[sflag:s0] =	ssyncadd.s32 @!p0 s1  }
0xe5: {  	[bflag:$0x3] =	sbarrier.arrive $0xFFFF  }
0xe6: {  	_ =	shalt  }

</sc_bundles>
